<compile_context>
chip_gen: v7x
topology: tpu7x:2x2x1
jax: 0.10.2.dev20260603
libtpu: 0.0.44.dev20260713+nightly
codegen_flags: <defaults>
</compile_context>

<pallas_src>
import functools
import math

import jax
import jax.numpy as jnp
from jax.experimental import pallas as pl

DIM = 256
HEADS = 4
TOPK = 40
MLP = 2
EPS = 1e-5
RS = 2

HD = DIM // HEADS
NEG = -1e30


def _mm(a, b, dims=((1,), (0,))):
    return jax.lax.dot_general(a, b, (dims, ((), ())),
                               preferred_element_type=jnp.float32)


def _shift_down(a):
    return jnp.concatenate([jnp.zeros((1, a.shape[1]), a.dtype), a[:-1]], 0)


def _shift_up(a):
    return jnp.concatenate([a[1:], jnp.zeros((1, a.shape[1]), a.dtype)], 0)



def _qkv_kernel(x_ref, wq_ref, wk_ref, wv_ref, sq_ref, bq_ref, sk_ref,
                bk_ref, qp_ref, kp_ref, vp_ref, qr_ref, kr_ref, *, C):
    xe = x_ref[0, 0]
    xo = x_ref[0, 1]
    xo_m = _shift_down(xo)
    xe_p = _shift_up(xe)

    def conv3(w_ref):
        w0 = w_ref[0:C]
        w1 = w_ref[C:2 * C]
        w2 = w_ref[2 * C:3 * C]
        y_e = _mm(xo_m, w0) + _mm(xe, w1) + _mm(xo, w2)
        y_o = _mm(xe, w0) + _mm(xo, w1) + _mm(xe_p, w2)
        return y_e, y_o

    q_e, q_o = conv3(wq_ref)
    q_e = q_e * sq_ref[...] + bq_ref[...]
    q_o = q_o * sq_ref[...] + bq_ref[...]
    k_e, k_o = conv3(wk_ref)
    k_e = k_e * sk_ref[...] + bk_ref[...]
    k_o = k_o * sk_ref[...] + bk_ref[...]
    wv = wv_ref[...]
    v_e = _mm(xe, wv)
    v_o = _mm(xo, wv)
    qp_ref[0, 0] = q_e
    qp_ref[0, 1] = q_o
    kp_ref[0, 0] = k_e
    kp_ref[0, 1] = k_o
    vp_ref[0, 0] = v_e
    vp_ref[0, 1] = v_o
    qr_ref[0] = (q_e + q_o) * 0.5
    kr_ref[0] = (k_e + k_o) * 0.5



def _routing_kernel(qr_ref, kr_ref, ar_ref, thr_ref):
    a = _mm(qr_ref[0], kr_ref[0], dims=((1,), (1,)))
    ar_ref[0] = a
    n = a.shape[0]
    bits = jax.lax.bitcast_convert_type(a, jnp.int32)
    imin = jnp.int32(-2147483648)
    u = jnp.where(bits < 0, imin - bits, bits)
    lo0 = jnp.full((n, 1), imin, jnp.int32)
    hi0 = jnp.full((n, 1), 2147483647, jnp.int32)

    def body(i, lh):
        lo, hi = lh
        x = lo ^ hi
        mid = (lo & hi) + (x >> 1) + (x & 1)
        cnt = jnp.sum((u >= mid).astype(jnp.int32), axis=1, keepdims=True)
        ge = cnt >= TOPK
        return jnp.where(ge, mid, lo), jnp.where(ge, hi, mid - 1)

    lo, _ = jax.lax.fori_loop(0, 32, body, (lo0, hi0))
    tb = jnp.where(lo > 0, lo, imin - lo)
    thr_ref[0] = jax.lax.bitcast_convert_type(tb, jnp.float32)



def _attn_kernel(q_ref, k_ref, v_ref, ar_ref, t_ref, x_ref, wo_ref, ob_ref,
                 lw_ref, lb_ref, o_ref, *, rb, n, scale):
    qb = pl.program_id(1)
    mask = ar_ref[0] >= t_ref[0]
    ve = v_ref[0, 0]
    vo = v_ref[0, 1]
    outs = []
    for i in range(RS):
        q_i = q_ref[0, i]
        heads = []
        for h in range(HEADS):
            sl = slice(h * HD, (h + 1) * HD)
            qh = q_i[:, sl]
            s0 = _mm(qh, k_ref[0, 0][:, sl], dims=((1,), (1,)))
            s1 = _mm(qh, k_ref[0, 1][:, sl], dims=((1,), (1,)))
            s0 = jnp.where(mask, s0 * scale, NEG)
            s1 = jnp.where(mask, s1 * scale, NEG)
            mx = jnp.maximum(jnp.max(s0, 1, keepdims=True),
                             jnp.max(s1, 1, keepdims=True))
            p0 = jnp.exp(s0 - mx)
            p1 = jnp.exp(s1 - mx)
            den = (jnp.sum(p0, 1, keepdims=True)
                   + jnp.sum(p1, 1, keepdims=True))
            oh = _mm(p0, ve[:, sl]) + _mm(p1, vo[:, sl])
            heads.append(oh / den)
        outs.append(jnp.concatenate(heads, axis=1))

    r0 = qb * rb
    nq = pl.num_programs(1)
    ve_b = v_ref[0, 0, pl.ds(r0, rb), :]
    vo_b = v_ref[0, 1, pl.ds(r0, rb), :]
    prev = v_ref[0, 1, pl.ds(jnp.maximum(r0 - 1, 0), 1), :]
    prev = jnp.where(qb > 0, prev, 0.0)
    nxt = v_ref[0, 0, pl.ds(jnp.minimum(r0 + rb, n - 1), 1), :]
    nxt = jnp.where(qb < nq - 1, nxt, 0.0)
    vom_b = jnp.concatenate([prev, vo_b[:-1]], 0)
    vep_b = jnp.concatenate([ve_b[1:], nxt], 0)
    lw0 = lw_ref[0:1]
    lw1 = lw_ref[1:2]
    lw2 = lw_ref[2:3]
    lb = lb_ref[...]
    lepe_e = lw0 * vom_b + lw1 * ve_b + lw2 * vo_b + lb
    lepe_o = lw0 * ve_b + lw1 * vo_b + lw2 * vep_b + lb
    wo = wo_ref[...]
    ob = ob_ref[...]
    o_ref[0, 0] = x_ref[0, 0] + _mm(outs[0] + lepe_e, wo) + ob
    o_ref[0, 1] = x_ref[0, 1] + _mm(outs[1] + lepe_o, wo) + ob



def _ffn_kernel(x_ref, w1_ref, b1_ref, w2_ref, b2_ref, dr_ref, di_ref,
                rb_ref, ib_ref, c_ref, s_ref, tw_ref, o_ref, *, T):
    n = T // 2
    inv = 1.0 / math.sqrt(float(T))
    e = jax.nn.relu(_mm(x_ref[0, 0], w1_ref[...]) + b1_ref[...])
    o = jax.nn.relu(_mm(x_ref[0, 1], w1_ref[...]) + b1_ref[...])
    C = c_ref[...]
    S = s_ref[...]
    er = _mm(C, e)
    ei = -_mm(S, e)
    orr = _mm(C, o)
    oi = -_mm(S, o)
    ck = tw_ref[:, 0:1]
    sk = tw_ref[:, 1:2]
    tor = ck * orr + sk * oi
    toi = ck * oi - sk * orr
    x1r = (er + tor) * inv
    x1i = (ei + toi) * inv
    x2r = (er - tor) * inv
    x2i = (ei - toi) * inv
    dr = dr_ref[...]
    di = di_ref[...]
    rb = rb_ref[...]
    ib = ib_ref[...]

    def freq_nl(xr, xi):
        yr = jax.nn.relu(xr * dr - xi * di + rb)
        yi = jax.nn.relu(xi * dr + xr * di + ib)
        return yr, yi

    x1r, x1i = freq_nl(x1r, x1i)
    x2r, x2i = freq_nl(x2r, x2i)
    u0r = x1r + x2r
    u0i = x1i + x2i
    d1r = x1r - x2r
    d1i = x1i - x2i
    v1r = d1r * ck - d1i * sk
    v1i = d1i * ck + d1r * sk
    ye = (_mm(C, u0r) - _mm(S, u0i)) * inv
    yo = (_mm(C, v1r) - _mm(S, v1i)) * inv
    o_ref[0, 0] = x_ref[0, 0] + _mm(ye, w2_ref[...]) + b2_ref[...]
    o_ref[0, 1] = x_ref[0, 1] + _mm(yo, w2_ref[...]) + b2_ref[...]


def _full(shape):
    return pl.BlockSpec(shape, lambda *a: tuple(0 for _ in shape))


def kernel(x, params):
    p = params
    Bb, C, Tt = x.shape
    n = Tt // RS
    dh = C * MLP
    rs1 = 1.0 / math.sqrt(1.0 + EPS)

    xts = x.transpose(0, 2, 1).reshape(Bb, n, RS, C).transpose(0, 2, 1, 3)
    xn1 = xts * (p['n1_g'] * rs1)[None, None, None, :] + p['n1_b']

    def conv_w(w):
        return w.transpose(2, 1, 0).reshape(3 * C, C)

    wq = conv_w(p['q_w'])
    wk = conv_w(p['k_w'])
    wv = p['v_w'][:, :, 0].T
    sq = (p['q_g'] * rs1)[None, :]
    bq = p['q_b'][None, :]
    sk = (p['k_g'] * rs1)[None, :]
    bk = p['k_b'][None, :]

    qp, kp, vp, q_r, k_r = pl.pallas_call(
        functools.partial(_qkv_kernel, C=C),
        grid=(Bb,),
        in_specs=[
            pl.BlockSpec((1, RS, n, C), lambda b: (b, 0, 0, 0)),
            _full((3 * C, C)), _full((3 * C, C)), _full((C, C)),
            _full((1, C)), _full((1, C)), _full((1, C)), _full((1, C)),
        ],
        out_specs=[
            pl.BlockSpec((1, RS, n, C), lambda b: (b, 0, 0, 0)),
            pl.BlockSpec((1, RS, n, C), lambda b: (b, 0, 0, 0)),
            pl.BlockSpec((1, RS, n, C), lambda b: (b, 0, 0, 0)),
            pl.BlockSpec((1, n, C), lambda b: (b, 0, 0)),
            pl.BlockSpec((1, n, C), lambda b: (b, 0, 0)),
        ],
        out_shape=[
            jax.ShapeDtypeStruct((Bb, RS, n, C), jnp.float32),
            jax.ShapeDtypeStruct((Bb, RS, n, C), jnp.float32),
            jax.ShapeDtypeStruct((Bb, RS, n, C), jnp.float32),
            jax.ShapeDtypeStruct((Bb, n, C), jnp.float32),
            jax.ShapeDtypeStruct((Bb, n, C), jnp.float32),
        ],
    )(xn1, wq, wk, wv, sq, bq, sk, bk)

    a_r, thr = pl.pallas_call(
        _routing_kernel,
        grid=(Bb,),
        in_specs=[pl.BlockSpec((1, n, C), lambda b: (b, 0, 0)),
                  pl.BlockSpec((1, n, C), lambda b: (b, 0, 0))],
        out_specs=[pl.BlockSpec((1, n, n), lambda b: (b, 0, 0)),
                   pl.BlockSpec((1, n, 1), lambda b: (b, 0, 0))],
        out_shape=[jax.ShapeDtypeStruct((Bb, n, n), jnp.float32),
                   jax.ShapeDtypeStruct((Bb, n, 1), jnp.float32)],
    )(q_r, k_r)

    rb = 256
    wo = p['out_w'][:, :, 0].T
    ob = p['out_b'][None, :]
    lw = p['lepe_w'][:, 0, :].T
    lb = p['lepe_b'][None, :]
    scale = C ** (-0.5)

    y1 = pl.pallas_call(
        functools.partial(_attn_kernel, rb=rb, n=n, scale=scale),
        grid=(Bb, n // rb),
        in_specs=[
            pl.BlockSpec((1, RS, rb, C), lambda b, q: (b, 0, q, 0)),
            pl.BlockSpec((1, RS, n, C), lambda b, q: (b, 0, 0, 0)),
            pl.BlockSpec((1, RS, n, C), lambda b, q: (b, 0, 0, 0)),
            pl.BlockSpec((1, rb, n), lambda b, q: (b, q, 0)),
            pl.BlockSpec((1, rb, 1), lambda b, q: (b, q, 0)),
            pl.BlockSpec((1, RS, rb, C), lambda b, q: (b, 0, q, 0)),
            _full((C, C)), _full((1, C)), _full((3, C)), _full((1, C)),
        ],
        out_specs=pl.BlockSpec((1, RS, rb, C), lambda b, q: (b, 0, q, 0)),
        out_shape=jax.ShapeDtypeStruct((Bb, RS, n, C), jnp.float32),
    )(qp, kp, vp, a_r, thr, xts, wo, ob, lw, lb)

    w1 = p['fc1_w'][:, :, 0].T
    s1 = p['fc1_g'] * rs1
    w1f = (p['n2_g'] * rs1)[:, None] * w1 * s1[None, :]
    b1f = ((p['n2_b'] @ w1) * s1 + p['fc1_b'])[None, :]
    w2 = p['fc2_w'][:, :, 0].T
    w2f = w2 * (p['fc2_g'] * rs1)[None, :]
    b2f = p['fc2_b'][None, :]
    dr = jnp.diagonal(p['r'])[None, :]
    di = jnp.diagonal(p['i'])[None, :]
    rbv = p['rb'][None, :]
    ibv = p['ib'][None, :]
    kk = jnp.arange(n, dtype=jnp.float32)
    nnm = kk[:, None] * kk[None, :] * (2.0 * jnp.pi / n)
    Cm = jnp.cos(nnm)
    Sm = jnp.sin(nnm)
    ang = jnp.pi * kk / n
    tw = jnp.stack([jnp.cos(ang), jnp.sin(ang)], axis=1)

    out = pl.pallas_call(
        functools.partial(_ffn_kernel, T=Tt),
        grid=(Bb,),
        in_specs=[
            pl.BlockSpec((1, RS, n, C), lambda b: (b, 0, 0, 0)),
            _full((C, dh)), _full((1, dh)),
            _full((dh, C)), _full((1, C)),
            _full((1, dh)), _full((1, dh)), _full((1, dh)), _full((1, dh)),
            _full((n, n)), _full((n, n)), _full((n, 2)),
        ],
        out_specs=pl.BlockSpec((1, RS, n, C), lambda b: (b, 0, 0, 0)),
        out_shape=jax.ShapeDtypeStruct((Bb, RS, n, C), jnp.float32),
    )(y1, w1f, b1f, w2f, b2f, dr, di, rbv, ibv, Cm, Sm, tw)

    return out.transpose(0, 3, 2, 1).reshape(Bb, C, Tt)

# --- scband reference (transcript-rebuilt; emitter-appended) ---
"""Pipeline reference for scband-time-bi-former-block-43138651521514 (READ-ONLY COPY).

The authoritative reference and input builder live on the scoring server;
editing this copy changes nothing except your own understanding.
"""

import jax, jax.numpy as jnp
import numpy as np

DIM = 256
HEADS = 4
TPATCH = 2
TOPK = 40
MLP = 2
B = 16
T = 2048
EPS = 1e-5


def conv1d(x, w, b=None, padding=0, groups=1):
    out = jax.lax.conv_general_dilated(
        x, w, (1,), [(padding, padding)],
        dimension_numbers=('NCH', 'OIH', 'NCH'),
        feature_group_count=groups)
    if b is not None:
        out = out + b[None, :, None]
    return out


def bn_eval(x, g, b):
    # BatchNorm1d in eval mode with running_mean=0, running_var=1
    return x / jnp.sqrt(1.0 + EPS) * g[None, :, None] + b[None, :, None]


def setup_inputs(seed: int = 0):
    key = jax.random.key(seed)
    ks = jax.random.split(key, 16)
    s = 0.02
    d = DIM
    dh = d * MLP
    params = {
        'q_w': s * jax.random.normal(ks[0], (d, d, 3), dtype=jnp.float32),
        'q_g': jnp.ones(d, jnp.float32), 'q_b': jnp.zeros(d, jnp.float32),
        'k_w': s * jax.random.normal(ks[1], (d, d, 3), dtype=jnp.float32),
        'k_g': jnp.ones(d, jnp.float32), 'k_b': jnp.zeros(d, jnp.float32),
        'v_w': s * jax.random.normal(ks[2], (d, d, 1), dtype=jnp.float32),
        'lepe_w': s * jax.random.normal(ks[3], (d, 1, 3), dtype=jnp.float32),
        'lepe_b': jnp.zeros(d, jnp.float32),
        'out_w': s * jax.random.normal(ks[4], (d, d, 1), dtype=jnp.float32),
        'out_b': jnp.zeros(d, jnp.float32),
        'n1_g': jnp.ones(d, jnp.float32), 'n1_b': jnp.zeros(d, jnp.float32),
        'n2_g': jnp.ones(d, jnp.float32), 'n2_b': jnp.zeros(d, jnp.float32),
        'r': s * jax.random.normal(ks[5], (dh, dh), dtype=jnp.float32),
        'i': s * jax.random.normal(ks[6], (dh, dh), dtype=jnp.float32),
        'rb': s * jax.random.normal(ks[7], (dh,), dtype=jnp.float32),
        'ib': s * jax.random.normal(ks[8], (dh,), dtype=jnp.float32),
        'fc1_w': s * jax.random.normal(ks[9], (dh, d, 1), dtype=jnp.float32),
        'fc1_g': jnp.ones(dh, jnp.float32), 'fc1_b': jnp.zeros(dh, jnp.float32),
        'fc2_w': s * jax.random.normal(ks[10], (d, dh, 1), dtype=jnp.float32),
        'fc2_g': jnp.ones(d, jnp.float32), 'fc2_b': jnp.zeros(d, jnp.float32),
    }
    x = jax.random.normal(ks[11], (B, DIM, T), dtype=jnp.float32)
    return {'x': x, 'params': params}


def _attention(x, p):
    Bb, C, Tt = x.shape
    H = HEADS
    hd = C // H
    rs = max(4 // TPATCH, 1)
    nr = Tt // rs
    scale = C ** (-0.5)
    q = bn_eval(conv1d(x, p['q_w'], padding=1), p['q_g'], p['q_b'])
    k = bn_eval(conv1d(x, p['k_w'], padding=1), p['k_g'], p['k_b'])
    v = conv1d(x, p['v_w'])
    # region-level routing on detached (stop_gradient) pooled q/k
    q_r = jax.lax.stop_gradient(q).reshape(Bb, C, nr, rs).mean(-1)
    k_r = jax.lax.stop_gradient(k).reshape(Bb, C, nr, rs).mean(-1)
    a_r = jnp.einsum('bcr,bcs->brs', q_r, k_r)  # (B, nr, nr)
    _, idx = jax.lax.top_k(a_r, TOPK)  # (B, nr, TOPK)
    idx = jnp.broadcast_to(idx[:, None], (Bb, H, nr, TOPK))

    def to_regions(t):
        return t.reshape(Bb, H, hd, nr, rs).transpose(0, 1, 3, 4, 2)  # (B,H,nr,rs,hd)

    qr = to_regions(q)
    kr = to_regions(k)
    vr = to_regions(v)

    def gather(t):  # t: (B,H,nr,rs,hd), idx: (B,H,nr,TOPK)
        def g(tb, ib):
            return tb[ib]  # (nr, TOPK, rs, hd)
        return jax.vmap(jax.vmap(g))(t, idx)

    kg = gather(kr).reshape(Bb, H, nr, TOPK * rs, hd)
    vg = gather(vr).reshape(Bb, H, nr, TOPK * rs, hd)
    logits = jnp.einsum('bhrqd,bhrkd->bhrqk', qr, kg) * scale
    attn = jax.nn.softmax(logits, axis=-1)
    out = jnp.einsum('bhrqk,bhrkd->bhrqd', attn, vg)
    out = out.transpose(0, 1, 4, 2, 3).reshape(Bb, C, Tt)
    out = out + conv1d(v, p['lepe_w'], p['lepe_b'], padding=1, groups=C)
    out = conv1d(out, p['out_w'], p['out_b'])
    return out


def _ffn(x, p):
    h = jax.nn.relu(bn_eval(conv1d(x, p['fc1_w']), p['fc1_g'], p['fc1_b']))
    h = h.transpose(0, 2, 1)  # (B, T, dh)
    xf = jnp.fft.fft(h, axis=1, norm='ortho')
    # torch.einsum('bnc,cc->bnc', x, r) multiplies by the diagonal of r
    xr = jax.nn.relu(jnp.einsum('bnc,cc->bnc', xf.real, p['r'])
                     - jnp.einsum('bnc,cc->bnc', xf.imag, p['i']) + p['rb'])
    xi = jax.nn.relu(jnp.einsum('bnc,cc->bnc', xf.imag, p['r'])
                     + jnp.einsum('bnc,cc->bnc', xf.real, p['i']) + p['ib'])
    xc = (xr + 1j * xi).astype(jnp.complex64)
    h = jnp.fft.ifft(xc, axis=1, norm='ortho').real
    h = h.transpose(0, 2, 1)
    return bn_eval(conv1d(h, p['fc2_w']), p['fc2_g'], p['fc2_b'])


def reference(x, params):
    x = x + _attention(bn_eval(x, params['n1_g'], params['n1_b']), params)
    x = x + _ffn(bn_eval(x, params['n2_g'], params['n2_b']), params)
    return x

if __name__ == "__main__":
    import jax
    _d = setup_inputs()
    print(jax.jit(kernel)(*tuple(_d.values())))

</pallas_src>

<mosaic_0001>
module attributes {stable_mosaic.version = 14 : i64} {
  func.func @_qkv_kernel(%arg0: i32, %arg1: memref<1x2x1024x256xf32, #tpu.memory_space<vmem>>, %arg2: memref<768x256xf32, #tpu.memory_space<vmem>>, %arg3: memref<768x256xf32, #tpu.memory_space<vmem>>, %arg4: memref<256x256xf32, #tpu.memory_space<vmem>>, %arg5: memref<1x256xf32, #tpu.memory_space<vmem>>, %arg6: memref<1x256xf32, #tpu.memory_space<vmem>>, %arg7: memref<1x256xf32, #tpu.memory_space<vmem>>, %arg8: memref<1x256xf32, #tpu.memory_space<vmem>>, %arg9: memref<1x2x1024x256xf32, #tpu.memory_space<vmem>>, %arg10: memref<1x2x1024x256xf32, #tpu.memory_space<vmem>>, %arg11: memref<1x2x1024x256xf32, #tpu.memory_space<vmem>>, %arg12: memref<1x1024x256xf32, #tpu.memory_space<vmem>>, %arg13: memref<1x1024x256xf32, #tpu.memory_space<vmem>>) attributes {dimension_semantics = [#tpu.dimension_semantics<arbitrary>], iteration_bounds = array<i64: 16>, scalar_prefetch = 0 : i64, scratch_operands = 0 : i64, tpu.core_type = #tpu.core_type<tc>, window_params = [{transform_indices = @transform_0, window_bounds = array<i64: 1, 2, 1024, 256>}, {pipeline_mode = #tpu.pipeline_mode<synchronous>, transform_indices = @transform_1, window_bounds = array<i64: 768, 256>}, {pipeline_mode = #tpu.pipeline_mode<synchronous>, transform_indices = @transform_2, window_bounds = array<i64: 768, 256>}, {pipeline_mode = #tpu.pipeline_mode<synchronous>, transform_indices = @transform_3, window_bounds = array<i64: 256, 256>}, {pipeline_mode = #tpu.pipeline_mode<synchronous>, transform_indices = @transform_4, window_bounds = array<i64: 1, 256>}, {pipeline_mode = #tpu.pipeline_mode<synchronous>, transform_indices = @transform_5, window_bounds = array<i64: 1, 256>}, {pipeline_mode = #tpu.pipeline_mode<synchronous>, transform_indices = @transform_6, window_bounds = array<i64: 1, 256>}, {pipeline_mode = #tpu.pipeline_mode<synchronous>, transform_indices = @transform_7, window_bounds = array<i64: 1, 256>}, {transform_indices = @transform_8, window_bounds = array<i64: 1, 2, 1024, 256>}, {transform_indices = @transform_9, window_bounds = array<i64: 1, 2, 1024, 256>}, {transform_indices = @transform_10, window_bounds = array<i64: 1, 2, 1024, 256>}, {transform_indices = @transform_11, window_bounds = array<i64: 1, 1024, 256>}, {transform_indices = @transform_12, window_bounds = array<i64: 1, 1024, 256>}]} {
    %get3A = arith.constant 0 : index
    %get3A_0 = arith.constant 0 : index
    %get3A_1 = arith.constant 0 : index
    %get3A_2 = arith.constant 0 : index
    %get3A_3 = vector.load %arg1[%get3A, %get3A_0, %get3A_1, %get3A_2] : memref<1x2x1024x256xf32, #tpu.memory_space<vmem>>, vector<1x1x1024x256xf32>
    %get3A_4 = vector.shape_cast %get3A_3 : vector<1x1x1024x256xf32> to vector<1024x256xf32>
    %get3A_5 = arith.constant 0 : index
    %get3A_6 = arith.constant 1 : index
    %get3A_7 = arith.constant 0 : index
    %get3A_8 = arith.constant 0 : index
    %get3A_9 = vector.load %arg1[%get3A_5, %get3A_6, %get3A_7, %get3A_8] : memref<1x2x1024x256xf32, #tpu.memory_space<vmem>>, vector<1x1x1024x256xf32>
    %get3A_10 = vector.shape_cast %get3A_9 : vector<1x1x1024x256xf32> to vector<1024x256xf32>
    %broadcast_in_dim3A = arith.constant 0.000000e+00 : f32
    %broadcast_in_dim3A_11 = vector.broadcast %broadcast_in_dim3A : f32 to vector<1x256xf32>
    %slice3A = vector.extract_strided_slice %get3A_10 {offsets = [0, 0], sizes = [1023, 256], strides = [1, 1]} : vector<1024x256xf32> to vector<1023x256xf32>
    %concatenate3A = tpu.concatenate %broadcast_in_dim3A_11, %slice3A in 0 : vector<1x256xf32>, vector<1023x256xf32> -> vector<1024x256xf32>
    %slice3A_12 = vector.extract_strided_slice %get3A_4 {offsets = [1, 0], sizes = [1023, 256], strides = [1, 1]} : vector<1024x256xf32> to vector<1023x256xf32>
    %broadcast_in_dim3A_13 = arith.constant 0.000000e+00 : f32
    %broadcast_in_dim3A_14 = vector.broadcast %broadcast_in_dim3A_13 : f32 to vector<1x256xf32>
    %concatenate3A_15 = tpu.concatenate %slice3A_12, %broadcast_in_dim3A_14 in 0 : vector<1023x256xf32>, vector<1x256xf32> -> vector<1024x256xf32>
    %get3A_16 = arith.constant 0 : index
    %get3A_17 = arith.constant 0 : index
    %get3A_18 = vector.load %arg2[%get3A_16, %get3A_17] : memref<768x256xf32, #tpu.memory_space<vmem>>, vector<256x256xf32>
    %get3A_19 = arith.constant 256 : index
    %get3A_20 = arith.constant 0 : index
    %get3A_21 = vector.load %arg2[%get3A_19, %get3A_20] : memref<768x256xf32, #tpu.memory_space<vmem>>, vector<256x256xf32>
    %get3A_22 = arith.constant 512 : index
    %get3A_23 = arith.constant 0 : index
    %get3A_24 = vector.load %arg2[%get3A_22, %get3A_23] : memref<768x256xf32, #tpu.memory_space<vmem>>, vector<256x256xf32>
    %dot_general3A = arith.constant dense<0.000000e+00> : vector<1024x256xf32>
    %dot_general3A_25 = tpu.matmul %concatenate3A, %get3A_18, %dot_general3A {dimension_numbers = #tpu.dot_dimension_numbers<[1], [0], [0], [1], [0, 0, 1, 1], [], []>, transpose_lhs_hint = false} : vector<1024x256xf32>, vector<256x256xf32>, vector<1024x256xf32> -> vector<1024x256xf32>
    %dot_general3A_26 = arith.constant dense<0.000000e+00> : vector<1024x256xf32>
    %dot_general3A_27 = tpu.matmul %get3A_4, %get3A_21, %dot_general3A_26 {dimension_numbers = #tpu.dot_dimension_numbers<[1], [0], [0], [1], [0, 0, 1, 1], [], []>, transpose_lhs_hint = false} : vector<1024x256xf32>, vector<256x256xf32>, vector<1024x256xf32> -> vector<1024x256xf32>
    %add3A = arith.addf %dot_general3A_25, %dot_general3A_27 : vector<1024x256xf32>
    %dot_general3A_28 = arith.constant dense<0.000000e+00> : vector<1024x256xf32>
    %dot_general3A_29 = tpu.matmul %get3A_10, %get3A_24, %dot_general3A_28 {dimension_numbers = #tpu.dot_dimension_numbers<[1], [0], [0], [1], [0, 0, 1, 1], [], []>, transpose_lhs_hint = false} : vector<1024x256xf32>, vector<256x256xf32>, vector<1024x256xf32> -> vector<1024x256xf32>
    %add3A_30 = arith.addf %add3A, %dot_general3A_29 : vector<1024x256xf32>
    %dot_general3A_31 = arith.constant dense<0.000000e+00> : vector<1024x256xf32>
    %dot_general3A_32 = tpu.matmul %get3A_4, %get3A_18, %dot_general3A_31 {dimension_numbers = #tpu.dot_dimension_numbers<[1], [0], [0], [1], [0, 0, 1, 1], [], []>, transpose_lhs_hint = false} : vector<1024x256xf32>, vector<256x256xf32>, vector<1024x256xf32> -> vector<1024x256xf32>
    %dot_general3A_33 = arith.constant dense<0.000000e+00> : vector<1024x256xf32>
    %dot_general3A_34 = tpu.matmul %get3A_10, %get3A_21, %dot_general3A_33 {dimension_numbers = #tpu.dot_dimension_numbers<[1], [0], [0], [1], [0, 0, 1, 1], [], []>, transpose_lhs_hint = false} : vector<1024x256xf32>, vector<256x256xf32>, vector<1024x256xf32> -> vector<1024x256xf32>
    %add3A_35 = arith.addf %dot_general3A_32, %dot_general3A_34 : vector<1024x256xf32>
    %dot_general3A_36 = arith.constant dense<0.000000e+00> : vector<1024x256xf32>
    %dot_general3A_37 = tpu.matmul %concatenate3A_15, %get3A_24, %dot_general3A_36 {dimension_numbers = #tpu.dot_dimension_numbers<[1], [0], [0], [1], [0, 0, 1, 1], [], []>, transpose_lhs_hint = false} : vector<1024x256xf32>, vector<256x256xf32>, vector<1024x256xf32> -> vector<1024x256xf32>
    %add3A_38 = arith.addf %add3A_35, %dot_general3A_37 : vector<1024x256xf32>
    %get3A_39 = arith.constant 0 : index
    %get3A_40 = arith.constant 0 : index
    %get3A_41 = vector.load %arg5[%get3A_39, %get3A_40] : memref<1x256xf32, #tpu.memory_space<vmem>>, vector<1x256xf32>
    %mul3A = vector.broadcast %get3A_41 : vector<1x256xf32> to vector<1024x256xf32>
    %mul3A_42 = arith.mulf %add3A_30, %mul3A : vector<1024x256xf32>
    %get3A_43 = arith.constant 0 : index
    %get3A_44 = arith.constant 0 : index
    %get3A_45 = vector.load %arg6[%get3A_43, %get3A_44] : memref<1x256xf32, #tpu.memory_space<vmem>>, vector<1x256xf32>
    %add3A_46 = vector.broadcast %get3A_45 : vector<1x256xf32> to vector<1024x256xf32>
    %add3A_47 = arith.addf %mul3A_42, %add3A_46 : vector<1024x256xf32>
    %get3A_48 = arith.constant 0 : index
    %get3A_49 = arith.constant 0 : index
    %get3A_50 = vector.load %arg5[%get3A_48, %get3A_49] : memref<1x256xf32, #tpu.memory_space<vmem>>, vector<1x256xf32>
    %mul3A_51 = vector.broadcast %get3A_50 : vector<1x256xf32> to vector<1024x256xf32>
    %mul3A_52 = arith.mulf %add3A_38, %mul3A_51 : vector<1024x256xf32>
    %get3A_53 = arith.constant 0 : index
    %get3A_54 = arith.constant 0 : index
    %get3A_55 = vector.load %arg6[%get3A_53, %get3A_54] : memref<1x256xf32, #tpu.memory_space<vmem>>, vector<1x256xf32>
    %add3A_56 = vector.broadcast %get3A_55 : vector<1x256xf32> to vector<1024x256xf32>
    %add3A_57 = arith.addf %mul3A_52, %add3A_56 : vector<1024x256xf32>
    %get3A_58 = arith.constant 0 : index
    %get3A_59 = arith.constant 0 : index
    %get3A_60 = vector.load %arg3[%get3A_58, %get3A_59] : memref<768x256xf32, #tpu.memory_space<vmem>>, vector<256x256xf32>
    %get3A_61 = arith.constant 256 : index
    %get3A_62 = arith.constant 0 : index
    %get3A_63 = vector.load %arg3[%get3A_61, %get3A_62] : memref<768x256xf32, #tpu.memory_space<vmem>>, vector<256x256xf32>
    %get3A_64 = arith.constant 512 : index
    %get3A_65 = arith.constant 0 : index
    %get3A_66 = vector.load %arg3[%get3A_64, %get3A_65] : memref<768x256xf32, #tpu.memory_space<vmem>>, vector<256x256xf32>
    %dot_general3A_67 = arith.constant dense<0.000000e+00> : vector<1024x256xf32>
    %dot_general3A_68 = tpu.matmul %concatenate3A, %get3A_60, %dot_general3A_67 {dimension_numbers = #tpu.dot_dimension_numbers<[1], [0], [0], [1], [0, 0, 1, 1], [], []>, transpose_lhs_hint = false} : vector<1024x256xf32>, vector<256x256xf32>, vector<1024x256xf32> -> vector<1024x256xf32>
    %dot_general3A_69 = arith.constant dense<0.000000e+00> : vector<1024x256xf32>
    %dot_general3A_70 = tpu.matmul %get3A_4, %get3A_63, %dot_general3A_69 {dimension_numbers = #tpu.dot_dimension_numbers<[1], [0], [0], [1], [0, 0, 1, 1], [], []>, transpose_lhs_hint = false} : vector<1024x256xf32>, vector<256x256xf32>, vector<1024x256xf32> -> vector<1024x256xf32>
    %add3A_71 = arith.addf %dot_general3A_68, %dot_general3A_70 : vector<1024x256xf32>
    %dot_general3A_72 = arith.constant dense<0.000000e+00> : vector<1024x256xf32>
    %dot_general3A_73 = tpu.matmul %get3A_10, %get3A_66, %dot_general3A_72 {dimension_numbers = #tpu.dot_dimension_numbers<[1], [0], [0], [1], [0, 0, 1, 1], [], []>, transpose_lhs_hint = false} : vector<1024x256xf32>, vector<256x256xf32>, vector<1024x256xf32> -> vector<1024x256xf32>
    %add3A_74 = arith.addf %add3A_71, %dot_general3A_73 : vector<1024x256xf32>
    %dot_general3A_75 = arith.constant dense<0.000000e+00> : vector<1024x256xf32>
    %dot_general3A_76 = tpu.matmul %get3A_4, %get3A_60, %dot_general3A_75 {dimension_numbers = #tpu.dot_dimension_numbers<[1], [0], [0], [1], [0, 0, 1, 1], [], []>, transpose_lhs_hint = false} : vector<1024x256xf32>, vector<256x256xf32>, vector<1024x256xf32> -> vector<1024x256xf32>
    %dot_general3A_77 = arith.constant dense<0.000000e+00> : vector<1024x256xf32>
    %dot_general3A_78 = tpu.matmul %get3A_10, %get3A_63, %dot_general3A_77 {dimension_numbers = #tpu.dot_dimension_numbers<[1], [0], [0], [1], [0, 0, 1, 1], [], []>, transpose_lhs_hint = false} : vector<1024x256xf32>, vector<256x256xf32>, vector<1024x256xf32> -> vector<1024x256xf32>
    %add3A_79 = arith.addf %dot_general3A_76, %dot_general3A_78 : vector<1024x256xf32>
    %dot_general3A_80 = arith.constant dense<0.000000e+00> : vector<1024x256xf32>
    %dot_general3A_81 = tpu.matmul %concatenate3A_15, %get3A_66, %dot_general3A_80 {dimension_numbers = #tpu.dot_dimension_numbers<[1], [0], [0], [1], [0, 0, 1, 1], [], []>, transpose_lhs_hint = false} : vector<1024x256xf32>, vector<256x256xf32>, vector<1024x256xf32> -> vector<1024x256xf32>
    %add3A_82 = arith.addf %add3A_79, %dot_general3A_81 : vector<1024x256xf32>
    %get3A_83 = arith.constant 0 : index
    %get3A_84 = arith.constant 0 : index
    %get3A_85 = vector.load %arg7[%get3A_83, %get3A_84] : memref<1x256xf32, #tpu.memory_space<vmem>>, vector<1x256xf32>
    %mul3A_86 = vector.broadcast %get3A_85 : vector<1x256xf32> to vector<1024x256xf32>
    %mul3A_87 = arith.mulf %add3A_74, %mul3A_86 : vector<1024x256xf32>
    %get3A_88 = arith.constant 0 : index
    %get3A_89 = arith.constant 0 : index
    %get3A_90 = vector.load %arg8[%get3A_88, %get3A_89] : memref<1x256xf32, #tpu.memory_space<vmem>>, vector<1x256xf32>
    %add3A_91 = vector.broadcast %get3A_90 : vector<1x256xf32> to vector<1024x256xf32>
    %add3A_92 = arith.addf %mul3A_87, %add3A_91 : vector<1024x256xf32>
    %get3A_93 = arith.constant 0 : index
    %get3A_94 = arith.constant 0 : index
    %get3A_95 = vector.load %arg7[%get3A_93, %get3A_94] : memref<1x256xf32, #tpu.memory_space<vmem>>, vector<1x256xf32>
    %mul3A_96 = vector.broadcast %get3A_95 : vector<1x256xf32> to vector<1024x256xf32>
    %mul3A_97 = arith.mulf %add3A_82, %mul3A_96 : vector<1024x256xf32>
    %get3A_98 = arith.constant 0 : index
    %get3A_99 = arith.constant 0 : index
    %get3A_100 = vector.load %arg8[%get3A_98, %get3A_99] : memref<1x256xf32, #tpu.memory_space<vmem>>, vector<1x256xf32>
    %add3A_101 = vector.broadcast %get3A_100 : vector<1x256xf32> to vector<1024x256xf32>
    %add3A_102 = arith.addf %mul3A_97, %add3A_101 : vector<1024x256xf32>
    %get3A_103 = arith.constant 0 : index
    %get3A_104 = arith.constant 0 : index
    %get3A_105 = vector.load %arg4[%get3A_103, %get3A_104] : memref<256x256xf32, #tpu.memory_space<vmem>>, vector<256x256xf32>
    %dot_general3A_106 = arith.constant dense<0.000000e+00> : vector<1024x256xf32>
    %dot_general3A_107 = tpu.matmul %get3A_4, %get3A_105, %dot_general3A_106 {dimension_numbers = #tpu.dot_dimension_numbers<[1], [0], [0], [1], [0, 0, 1, 1], [], []>, transpose_lhs_hint = false} : vector<1024x256xf32>, vector<256x256xf32>, vector<1024x256xf32> -> vector<1024x256xf32>
    %dot_general3A_108 = arith.constant dense<0.000000e+00> : vector<1024x256xf32>
    %dot_general3A_109 = tpu.matmul %get3A_10, %get3A_105, %dot_general3A_108 {dimension_numbers = #tpu.dot_dimension_numbers<[1], [0], [0], [1], [0, 0, 1, 1], [], []>, transpose_lhs_hint = false} : vector<1024x256xf32>, vector<256x256xf32>, vector<1024x256xf32> -> vector<1024x256xf32>
    %swap3A = arith.constant 0 : index
    %swap3A_110 = arith.constant 0 : index
    %swap3A_111 = arith.constant 0 : index
    %swap3A_112 = arith.constant 0 : index
    %swap3A_113 = vector.load %arg9[%swap3A, %swap3A_110, %swap3A_111, %swap3A_112] : memref<1x2x1024x256xf32, #tpu.memory_space<vmem>>, vector<1x1x1024x256xf32>
    %swap3A_114 = vector.shape_cast %swap3A_113 : vector<1x1x1024x256xf32> to vector<1024x256xf32>
    %swap3A_115 = vector.shape_cast %add3A_47 : vector<1024x256xf32> to vector<1x1x1024x256xf32>
    tpu.vector_store %arg9[%swap3A, %swap3A_110, %swap3A_111, %swap3A_112], %swap3A_115 {strides = array<i32>} : memref<1x2x1024x256xf32, #tpu.memory_space<vmem>>, vector<1x1x1024x256xf32>,
    %swap3A_116 = arith.constant 0 : index
    %swap3A_117 = arith.constant 1 : index
    %swap3A_118 = arith.constant 0 : index
    %swap3A_119 = arith.constant 0 : index
    %swap3A_120 = vector.load %arg9[%swap3A_116, %swap3A_117, %swap3A_118, %swap3A_119] : memref<1x2x1024x256xf32, #tpu.memory_space<vmem>>, vector<1x1x1024x256xf32>
    %swap3A_121 = vector.shape_cast %swap3A_120 : vector<1x1x1024x256xf32> to vector<1024x256xf32>
    %swap3A_122 = vector.shape_cast %add3A_57 : vector<1024x256xf32> to vector<1x1x1024x256xf32>
    tpu.vector_store %arg9[%swap3A_116, %swap3A_117, %swap3A_118, %swap3A_119], %swap3A_122 {strides = array<i32>} : memref<1x2x1024x256xf32, #tpu.memory_space<vmem>>, vector<1x1x1024x256xf32>,
    %swap3A_123 = arith.constant 0 : index
    %swap3A_124 = arith.constant 0 : index
    %swap3A_125 = arith.constant 0 : index
    %swap3A_126 = arith.constant 0 : index
    %swap3A_127 = vector.load %arg10[%swap3A_123, %swap3A_124, %swap3A_125, %swap3A_126] : memref<1x2x1024x256xf32, #tpu.memory_space<vmem>>, vector<1x1x1024x256xf32>
    %swap3A_128 = vector.shape_cast %swap3A_127 : vector<1x1x1024x256xf32> to vector<1024x256xf32>
    %swap3A_129 = vector.shape_cast %add3A_92 : vector<1024x256xf32> to vector<1x1x1024x256xf32>
    tpu.vector_store %arg10[%swap3A_123, %swap3A_124, %swap3A_125, %swap3A_126], %swap3A_129 {strides = array<i32>} : memref<1x2x1024x256xf32, #tpu.memory_space<vmem>>, vector<1x1x1024x256xf32>,
    %swap3A_130 = arith.constant 0 : index
    %swap3A_131 = arith.constant 1 : index
    %swap3A_132 = arith.constant 0 : index
    %swap3A_133 = arith.constant 0 : index
    %swap3A_134 = vector.load %arg10[%swap3A_130, %swap3A_131, %swap3A_132, %swap3A_133] : memref<1x2x1024x256xf32, #tpu.memory_space<vmem>>, vector<1x1x1024x256xf32>
    %swap3A_135 = vector.shape_cast %swap3A_134 : vector<1x1x1024x256xf32> to vector<1024x256xf32>
    %swap3A_136 = vector.shape_cast %add3A_102 : vector<1024x256xf32> to vector<1x1x1024x256xf32>
    tpu.vector_store %arg10[%swap3A_130, %swap3A_131, %swap3A_132, %swap3A_133], %swap3A_136 {strides = array<i32>} : memref<1x2x1024x256xf32, #tpu.memory_space<vmem>>, vector<1x1x1024x256xf32>,
    %swap3A_137 = arith.constant 0 : index
    %swap3A_138 = arith.constant 0 : index
    %swap3A_139 = arith.constant 0 : index
    %swap3A_140 = arith.constant 0 : index
    %swap3A_141 = vector.load %arg11[%swap3A_137, %swap3A_138, %swap3A_139, %swap3A_140] : memref<1x2x1024x256xf32, #tpu.memory_space<vmem>>, vector<1x1x1024x256xf32>
    %swap3A_142 = vector.shape_cast %swap3A_141 : vector<1x1x1024x256xf32> to vector<1024x256xf32>
    %swap3A_143 = vector.shape_cast %dot_general3A_107 : vector<1024x256xf32> to vector<1x1x1024x256xf32>
    tpu.vector_store %arg11[%swap3A_137, %swap3A_138, %swap3A_139, %swap3A_140], %swap3A_143 {strides = array<i32>} : memref<1x2x1024x256xf32, #tpu.memory_space<vmem>>, vector<1x1x1024x256xf32>,
    %swap3A_144 = arith.constant 0 : index
    %swap3A_145 = arith.constant 1 : index
    %swap3A_146 = arith.constant 0 : index
    %swap3A_147 = arith.constant 0 : index
    %swap3A_148 = vector.load %arg11[%swap3A_144, %swap3A_145, %swap3A_146, %swap3A_147] : memref<1x2x1024x256xf32, #tpu.memory_space<vmem>>, vector<1x1x1024x256xf32>
    %swap3A_149 = vector.shape_cast %swap3A_148 : vector<1x1x1024x256xf32> to vector<1024x256xf32>
    %swap3A_150 = vector.shape_cast %dot_general3A_109 : vector<1024x256xf32> to vector<1x1x1024x256xf32>
    tpu.vector_store %arg11[%swap3A_144, %swap3A_145, %swap3A_146, %swap3A_147], %swap3A_150 {strides = array<i32>} : memref<1x2x1024x256xf32, #tpu.memory_space<vmem>>, vector<1x1x1024x256xf32>,
    %add3A_151 = arith.addf %add3A_47, %add3A_57 : vector<1024x256xf32>
    %mul3A_152 = arith.constant 5.000000e-01 : f32
    %mul3A_153 = vector.broadcast %mul3A_152 : f32 to vector<1024x256xf32>
    %mul3A_154 = arith.mulf %add3A_151, %mul3A_153 : vector<1024x256xf32>
    %swap3A_155 = arith.constant 0 : index
    %swap3A_156 = arith.constant 0 : index
    %swap3A_157 = arith.constant 0 : index
    %swap3A_158 = vector.load %arg12[%swap3A_155, %swap3A_156, %swap3A_157] : memref<1x1024x256xf32, #tpu.memory_space<vmem>>, vector<1x1024x256xf32>
    %swap3A_159 = vector.shape_cast %swap3A_158 : vector<1x1024x256xf32> to vector<1024x256xf32>
    %swap3A_160 = vector.shape_cast %mul3A_154 : vector<1024x256xf32> to vector<1x1024x256xf32>
    tpu.vector_store %arg12[%swap3A_155, %swap3A_156, %swap3A_157], %swap3A_160 {strides = array<i32>} : memref<1x1024x256xf32, #tpu.memory_space<vmem>>, vector<1x1024x256xf32>,
    %add3A_161 = arith.addf %add3A_92, %add3A_102 : vector<1024x256xf32>
    %mul3A_162 = arith.constant 5.000000e-01 : f32
    %mul3A_163 = vector.broadcast %mul3A_162 : f32 to vector<1024x256xf32>
    %mul3A_164 = arith.mulf %add3A_161, %mul3A_163 : vector<1024x256xf32>
    %swap3A_165 = arith.constant 0 : index
    %swap3A_166 = arith.constant 0 : index
    %swap3A_167 = arith.constant 0 : index
    %swap3A_168 = vector.load %arg13[%swap3A_165, %swap3A_166, %swap3A_167] : memref<1x1024x256xf32, #tpu.memory_space<vmem>>, vector<1x1024x256xf32>
    %swap3A_169 = vector.shape_cast %swap3A_168 : vector<1x1024x256xf32> to vector<1024x256xf32>
    %swap3A_170 = vector.shape_cast %mul3A_164 : vector<1024x256xf32> to vector<1x1024x256xf32>
    tpu.vector_store %arg13[%swap3A_165, %swap3A_166, %swap3A_167], %swap3A_170 {strides = array<i32>} : memref<1x1024x256xf32, #tpu.memory_space<vmem>>, vector<1x1024x256xf32>,
    return
  }
  func.func @transform_0(%arg0: i32) -> (i32, i32, i32, i32) {
    %c0_i32 = arith.constant 0 : i32
    %c0_i32_0 = arith.constant 0 : i32
    %c0_i32_1 = arith.constant 0 : i32
    %c0_i32_2 = arith.constant 0 : i32
    return %arg0, %c0_i32, %c0_i32_0, %c0_i32_1 : i32, i32, i32, i32
  }
  func.func @transform_1(%arg0: i32) -> (i32, i32) {
    %c0_i32 = arith.constant 0 : i32
    %c0_i32_0 = arith.constant 0 : i32
    %c0_i32_1 = arith.constant 0 : i32
    return %c0_i32, %c0_i32_0 : i32, i32
  }
  func.func @transform_2(%arg0: i32) -> (i32, i32) {
    %c0_i32 = arith.constant 0 : i32
    %c0_i32_0 = arith.constant 0 : i32
    %c0_i32_1 = arith.constant 0 : i32
    return %c0_i32, %c0_i32_0 : i32, i32
  }
  func.func @transform_3(%arg0: i32) -> (i32, i32) {
    %c0_i32 = arith.constant 0 : i32
    %c0_i32_0 = arith.constant 0 : i32
    %c0_i32_1 = arith.constant 0 : i32
    return %c0_i32, %c0_i32_0 : i32, i32
  }
  func.func @transform_4(%arg0: i32) -> (i32, i32) {
    %c0_i32 = arith.constant 0 : i32
    %c0_i32_0 = arith.constant 0 : i32
    %c0_i32_1 = arith.constant 0 : i32
    return %c0_i32, %c0_i32_0 : i32, i32
  }
  func.func @transform_5(%arg0: i32) -> (i32, i32) {
    %c0_i32 = arith.constant 0 : i32
    %c0_i32_0 = arith.constant 0 : i32
    %c0_i32_1 = arith.constant 0 : i32
    return %c0_i32, %c0_i32_0 : i32, i32
  }
  func.func @transform_6(%arg0: i32) -> (i32, i32) {
    %c0_i32 = arith.constant 0 : i32
    %c0_i32_0 = arith.constant 0 : i32
    %c0_i32_1 = arith.constant 0 : i32
    return %c0_i32, %c0_i32_0 : i32, i32
  }
  func.func @transform_7(%arg0: i32) -> (i32, i32) {
    %c0_i32 = arith.constant 0 : i32
    %c0_i32_0 = arith.constant 0 : i32
    %c0_i32_1 = arith.constant 0 : i32
    return %c0_i32, %c0_i32_0 : i32, i32
  }
  func.func @transform_8(%arg0: i32) -> (i32, i32, i32, i32) {
    %c0_i32 = arith.constant 0 : i32
    %c0_i32_0 = arith.constant 0 : i32
    %c0_i32_1 = arith.constant 0 : i32
    %c0_i32_2 = arith.constant 0 : i32
    return %arg0, %c0_i32, %c0_i32_0, %c0_i32_1 : i32, i32, i32, i32
  }
  func.func @transform_9(%arg0: i32) -> (i32, i32, i32, i32) {
    %c0_i32 = arith.constant 0 : i32
    %c0_i32_0 = arith.constant 0 : i32
    %c0_i32_1 = arith.constant 0 : i32
    %c0_i32_2 = arith.constant 0 : i32
    return %arg0, %c0_i32, %c0_i32_0, %c0_i32_1 : i32, i32, i32, i32
  }
  func.func @transform_10(%arg0: i32) -> (i32, i32, i32, i32) {
    %c0_i32 = arith.constant 0 : i32
    %c0_i32_0 = arith.constant 0 : i32
    %c0_i32_1 = arith.constant 0 : i32
    %c0_i32_2 = arith.constant 0 : i32
    return %arg0, %c0_i32, %c0_i32_0, %c0_i32_1 : i32, i32, i32, i32
  }
  func.func @transform_11(%arg0: i32) -> (i32, i32, i32) {
    %c0_i32 = arith.constant 0 : i32
    %c0_i32_0 = arith.constant 0 : i32
    %c0_i32_1 = arith.constant 0 : i32
    return %arg0, %c0_i32, %c0_i32_0 : i32, i32, i32
  }
  func.func @transform_12(%arg0: i32) -> (i32, i32, i32) {
    %c0_i32 = arith.constant 0 : i32
    %c0_i32_0 = arith.constant 0 : i32
    %c0_i32_1 = arith.constant 0 : i32
    return %arg0, %c0_i32, %c0_i32_0 : i32, i32, i32
  }
}

module attributes {stable_mosaic.version = 14 : i64} {
  func.func @_routing_kernel(%arg0: i32, %arg1: memref<1x1024x256xf32, #tpu.memory_space<vmem>>, %arg2: memref<1x1024x256xf32, #tpu.memory_space<vmem>>, %arg3: memref<1x1024x1024xf32, #tpu.memory_space<vmem>>, %arg4: memref<1x1024x1xf32, #tpu.memory_space<vmem>>) attributes {dimension_semantics = [#tpu.dimension_semantics<arbitrary>], iteration_bounds = array<i64: 16>, scalar_prefetch = 0 : i64, scratch_operands = 0 : i64, tpu.core_type = #tpu.core_type<tc>, window_params = [{transform_indices = @transform_0, window_bounds = array<i64: 1, 1024, 256>}, {transform_indices = @transform_1, window_bounds = array<i64: 1, 1024, 256>}, {transform_indices = @transform_2, window_bounds = array<i64: 1, 1024, 1024>}, {transform_indices = @transform_3, window_bounds = array<i64: 1, 1024, 1>}]} {
    %get3A = arith.constant 0 : index
    %get3A_0 = arith.constant 0 : index
    %get3A_1 = arith.constant 0 : index
    %get3A_2 = vector.load %arg1[%get3A, %get3A_0, %get3A_1] : memref<1x1024x256xf32, #tpu.memory_space<vmem>>, vector<1x1024x256xf32>
    %get3A_3 = vector.shape_cast %get3A_2 : vector<1x1024x256xf32> to vector<1024x256xf32>
    %get3A_4 = arith.constant 0 : index
    %get3A_5 = arith.constant 0 : index
    %get3A_6 = arith.constant 0 : index
    %get3A_7 = vector.load %arg2[%get3A_4, %get3A_5, %get3A_6] : memref<1x1024x256xf32, #tpu.memory_space<vmem>>, vector<1x1024x256xf32>
    %get3A_8 = vector.shape_cast %get3A_7 : vector<1x1024x256xf32> to vector<1024x256xf32>
    %dot_general3A = arith.constant dense<0.000000e+00> : vector<1024x1024xf32>
    %dot_general3A_9 = tpu.matmul %get3A_3, %get3A_8, %dot_general3A {dimension_numbers = #tpu.dot_dimension_numbers<[1], [1], [0], [0], [0, 0, 1, 0], [], []>, transpose_lhs_hint = false} : vector<1024x256xf32>, vector<1024x256xf32>, vector<1024x1024xf32> -> vector<1024x1024xf32>
    %swap3A = arith.constant 0 : index
    %swap3A_10 = arith.constant 0 : index
    %swap3A_11 = arith.constant 0 : index
    %swap3A_12 = vector.load %arg3[%swap3A, %swap3A_10, %swap3A_11] : memref<1x1024x1024xf32, #tpu.memory_space<vmem>>, vector<1x1024x1024xf32>
    %swap3A_13 = vector.shape_cast %swap3A_12 : vector<1x1024x1024xf32> to vector<1024x1024xf32>
    %swap3A_14 = vector.shape_cast %dot_general3A_9 : vector<1024x1024xf32> to vector<1x1024x1024xf32>
    tpu.vector_store %arg3[%swap3A, %swap3A_10, %swap3A_11], %swap3A_14 {strides = array<i32>} : memref<1x1024x1024xf32, #tpu.memory_space<vmem>>, vector<1x1024x1024xf32>,
    %bitcast_convert_type3A = tpu.bitcast %dot_general3A_9 : vector<1024x1024xf32> -> vector<1024x1024xi32>
    %lt3A = arith.constant 0 : i32
    %lt3A_15 = vector.broadcast %lt3A : i32 to vector<1024x1024xi32>
    %lt3A_16 = arith.cmpi slt, %bitcast_convert_type3A, %lt3A_15 : vector<1024x1024xi32>
    %sub3A = arith.constant -2147483648 : i32
    %sub3A_17 = vector.broadcast %sub3A : i32 to vector<1024x1024xi32>
    %sub3A_18 = arith.subi %sub3A_17, %bitcast_convert_type3A : vector<1024x1024xi32>
    %select_n3A = arith.select %lt3A_16, %sub3A_18, %bitcast_convert_type3A : vector<1024x1024xi1>, vector<1024x1024xi32>
    %broadcast_in_dim3A = arith.constant -2147483648 : i32
    %broadcast_in_dim3A_19 = vector.broadcast %broadcast_in_dim3A : i32 to vector<1024x1xi32>
    %broadcast_in_dim3A_20 = arith.constant 2147483647 : i32
    %broadcast_in_dim3A_21 = vector.broadcast %broadcast_in_dim3A_20 : i32 to vector<1024x1xi32>
    %scan3A = arith.constant 0 : i32
    %scan3A_22 = arith.constant 32 : i32
    %scan3A_23 = arith.addi %scan3A, %scan3A_22 : i32
    %scan3A_24 = arith.constant 1 : i32
    %scan3A_25:2 = scf.for %scan3A_39 = %scan3A to %scan3A_23 step %scan3A_24 iter_args(%scan3A_40 = %broadcast_in_dim3A_19, %scan3A_41 = %broadcast_in_dim3A_21) -> (vector<1024x1xi32>, vector<1024x1xi32>)  : i32 {
      %xor3A = arith.xori %scan3A_40, %scan3A_41 : vector<1024x1xi32>
      %and3A = arith.andi %scan3A_40, %scan3A_41 : vector<1024x1xi32>
      %shift_right_arithmetic3A = arith.constant 1 : i32
      %shift_right_arithmetic3A_42 = vector.broadcast %shift_right_arithmetic3A : i32 to vector<1024x1xi32>
      %shift_right_arithmetic3A_43 = arith.shrsi %xor3A, %shift_right_arithmetic3A_42 : vector<1024x1xi32>
      %add3A = arith.addi %and3A, %shift_right_arithmetic3A_43 : vector<1024x1xi32>
      %and3A_44 = arith.constant 1 : i32
      %and3A_45 = vector.broadcast %and3A_44 : i32 to vector<1024x1xi32>
      %and3A_46 = arith.andi %xor3A, %and3A_45 : vector<1024x1xi32>
      %add3A_47 = arith.addi %add3A, %and3A_46 : vector<1024x1xi32>
      %ge3A = vector.broadcast %add3A_47 : vector<1024x1xi32> to vector<1024x1024xi32>
      %ge3A_48 = arith.cmpi sge, %select_n3A, %ge3A : vector<1024x1024xi32>
      %convert_element_type3A = arith.extui %ge3A_48 : vector<1024x1024xi1> to vector<1024x1024xi32>
      %reduce_sum3A = arith.constant dense<0> : vector<1024xi32>
      %reduce_sum3A_49 = vector.multi_reduction <add>, %convert_element_type3A, %reduce_sum3A [1] : vector<1024x1024xi32> to vector<1024xi32>
      %broadcast_in_dim3A_50 = vector.shape_cast %reduce_sum3A_49 : vector<1024xi32> to vector<1024x1xi32>
      %ge3A_51 = arith.constant 40 : i32
      %ge3A_52 = vector.broadcast %ge3A_51 : i32 to vector<1024x1xi32>
      %ge3A_53 = arith.cmpi sge, %broadcast_in_dim3A_50, %ge3A_52 : vector<1024x1xi32>
      %select_n3A_54 = arith.select %ge3A_53, %add3A_47, %scan3A_40 : vector<1024x1xi1>, vector<1024x1xi32>
      %sub3A_55 = arith.constant 1 : i32
      %sub3A_56 = vector.broadcast %sub3A_55 : i32 to vector<1024x1xi32>
      %sub3A_57 = arith.subi %add3A_47, %sub3A_56 : vector<1024x1xi32>
      %select_n3A_58 = arith.select %ge3A_53, %scan3A_41, %sub3A_57 : vector<1024x1xi1>, vector<1024x1xi32>
      scf.yield %select_n3A_54, %select_n3A_58 : vector<1024x1xi32>, vector<1024x1xi32>
    }
    %gt3A = arith.constant 0 : i32
    %gt3A_26 = vector.broadcast %gt3A : i32 to vector<1024x1xi32>
    %gt3A_27 = arith.cmpi sgt, %scan3A_25#0, %gt3A_26 : vector<1024x1xi32>
    %sub3A_28 = arith.constant -2147483648 : i32
    %sub3A_29 = vector.broadcast %sub3A_28 : i32 to vector<1024x1xi32>
    %sub3A_30 = arith.subi %sub3A_29, %scan3A_25#0 : vector<1024x1xi32>
    %select_n3A_31 = arith.select %gt3A_27, %scan3A_25#0, %sub3A_30 : vector<1024x1xi1>, vector<1024x1xi32>
    %bitcast_convert_type3A_32 = tpu.bitcast %select_n3A_31 : vector<1024x1xi32> -> vector<1024x1xf32>
    %swap3A_33 = arith.constant 0 : index
    %swap3A_34 = arith.constant 0 : index
    %swap3A_35 = arith.constant 0 : index
    %swap3A_36 = vector.load %arg4[%swap3A_33, %swap3A_34, %swap3A_35] : memref<1x1024x1xf32, #tpu.memory_space<vmem>>, vector<1x1024x1xf32>
    %swap3A_37 = vector.shape_cast %swap3A_36 : vector<1x1024x1xf32> to vector<1024x1xf32>
    %swap3A_38 = vector.shape_cast %bitcast_convert_type3A_32 : vector<1024x1xf32> to vector<1x1024x1xf32>
    tpu.vector_store %arg4[%swap3A_33, %swap3A_34, %swap3A_35], %swap3A_38 {strides = array<i32>} : memref<1x1024x1xf32, #tpu.memory_space<vmem>>, vector<1x1024x1xf32>,
    return
  }
  func.func @transform_0(%arg0: i32) -> (i32, i32, i32) {
    %c0_i32 = arith.constant 0 : i32
    %c0_i32_0 = arith.constant 0 : i32
    %c0_i32_1 = arith.constant 0 : i32
    return %arg0, %c0_i32, %c0_i32_0 : i32, i32, i32
  }
  func.func @transform_1(%arg0: i32) -> (i32, i32, i32) {
    %c0_i32 = arith.constant 0 : i32
    %c0_i32_0 = arith.constant 0 : i32
    %c0_i32_1 = arith.constant 0 : i32
    return %arg0, %c0_i32, %c0_i32_0 : i32, i32, i32
  }
  func.func @transform_2(%arg0: i32) -> (i32, i32, i32) {
    %c0_i32 = arith.constant 0 : i32
    %c0_i32_0 = arith.constant 0 : i32
    %c0_i32_1 = arith.constant 0 : i32
    return %arg0, %c0_i32, %c0_i32_0 : i32, i32, i32
  }
  func.func @transform_3(%arg0: i32) -> (i32, i32, i32) {
    %c0_i32 = arith.constant 0 : i32
    %c0_i32_0 = arith.constant 0 : i32
    %c0_i32_1 = arith.constant 0 : i32
    return %arg0, %c0_i32, %c0_i32_0 : i32, i32, i32
  }
}

module attributes {stable_mosaic.version = 14 : i64} {
  func.func @_attn_kernel(%arg0: i32, %arg1: i32, %arg2: memref<1x2x256x256xf32, #tpu.memory_space<vmem>>, %arg3: memref<1x2x1024x256xf32, #tpu.memory_space<vmem>>, %arg4: memref<1x2x1024x256xf32, #tpu.memory_space<vmem>>, %arg5: memref<1x256x1024xf32, #tpu.memory_space<vmem>>, %arg6: memref<1x256x1xf32, #tpu.memory_space<vmem>>, %arg7: memref<1x2x256x256xf32, #tpu.memory_space<vmem>>, %arg8: memref<256x256xf32, #tpu.memory_space<vmem>>, %arg9: memref<1x256xf32, #tpu.memory_space<vmem>>, %arg10: memref<3x256xf32, #tpu.memory_space<vmem>>, %arg11: memref<1x256xf32, #tpu.memory_space<vmem>>, %arg12: memref<1x2x256x256xf32, #tpu.memory_space<vmem>>) attributes {dimension_semantics = [#tpu.dimension_semantics<arbitrary>, #tpu.dimension_semantics<arbitrary>], iteration_bounds = array<i64: 16, 4>, scalar_prefetch = 0 : i64, scratch_operands = 0 : i64, tpu.core_type = #tpu.core_type<tc>, window_params = [{transform_indices = @transform_0, window_bounds = array<i64: 1, 2, 256, 256>}, {transform_indices = @transform_1, window_bounds = array<i64: 1, 2, 1024, 256>}, {transform_indices = @transform_2, window_bounds = array<i64: 1, 2, 1024, 256>}, {transform_indices = @transform_3, window_bounds = array<i64: 1, 256, 1024>}, {transform_indices = @transform_4, window_bounds = array<i64: 1, 256, 1>}, {transform_indices = @transform_5, window_bounds = array<i64: 1, 2, 256, 256>}, {pipeline_mode = #tpu.pipeline_mode<synchronous>, transform_indices = @transform_6, window_bounds = array<i64: 256, 256>}, {pipeline_mode = #tpu.pipeline_mode<synchronous>, transform_indices = @transform_7, window_bounds = array<i64: 1, 256>}, {pipeline_mode = #tpu.pipeline_mode<synchronous>, transform_indices = @transform_8, window_bounds = array<i64: 3, 256>}, {pipeline_mode = #tpu.pipeline_mode<synchronous>, transform_indices = @transform_9, window_bounds = array<i64: 1, 256>}, {transform_indices = @transform_10, window_bounds = array<i64: 1, 2, 256, 256>}]} {
    %get3A = arith.constant 0 : index
    %get3A_0 = arith.constant 0 : index
    %get3A_1 = arith.constant 0 : index
    %get3A_2 = vector.load %arg5[%get3A, %get3A_0, %get3A_1] : memref<1x256x1024xf32, #tpu.memory_space<vmem>>, vector<1x256x1024xf32>
    %get3A_3 = vector.shape_cast %get3A_2 : vector<1x256x1024xf32> to vector<256x1024xf32>
    %get3A_4 = arith.constant 0 : index
    %get3A_5 = arith.constant 0 : index
    %get3A_6 = arith.constant 0 : index
    %get3A_7 = vector.load %arg6[%get3A_4, %get3A_5, %get3A_6] : memref<1x256x1xf32, #tpu.memory_space<vmem>>, vector<1x256x1xf32>
    %get3A_8 = vector.shape_cast %get3A_7 : vector<1x256x1xf32> to vector<256x1xf32>
    %ge3A = vector.broadcast %get3A_8 : vector<256x1xf32> to vector<256x1024xf32>
    %ge3A_9 = arith.cmpf oge, %get3A_3, %ge3A : vector<256x1024xf32>
    %get3A_10 = arith.constant 0 : index
    %get3A_11 = arith.constant 0 : index
    %get3A_12 = arith.constant 0 : index
    %get3A_13 = arith.constant 0 : index
    %get3A_14 = vector.load %arg4[%get3A_10, %get3A_11, %get3A_12, %get3A_13] : memref<1x2x1024x256xf32, #tpu.memory_space<vmem>>, vector<1x1x1024x256xf32>
    %get3A_15 = vector.shape_cast %get3A_14 : vector<1x1x1024x256xf32> to vector<1024x256xf32>
    %get3A_16 = arith.constant 0 : index
    %get3A_17 = arith.constant 1 : index
    %get3A_18 = arith.constant 0 : index
    %get3A_19 = arith.constant 0 : index
    %get3A_20 = vector.load %arg4[%get3A_16, %get3A_17, %get3A_18, %get3A_19] : memref<1x2x1024x256xf32, #tpu.memory_space<vmem>>, vector<1x1x1024x256xf32>
    %get3A_21 = vector.shape_cast %get3A_20 : vector<1x1x1024x256xf32> to vector<1024x256xf32>
    %get3A_22 = arith.constant 0 : index
    %get3A_23 = arith.constant 0 : index
    %get3A_24 = arith.constant 0 : index
    %get3A_25 = arith.constant 0 : index
    %get3A_26 = vector.load %arg2[%get3A_22, %get3A_23, %get3A_24, %get3A_25] : memref<1x2x256x256xf32, #tpu.memory_space<vmem>>, vector<1x1x256x256xf32>
    %get3A_27 = vector.shape_cast %get3A_26 : vector<1x1x256x256xf32> to vector<256x256xf32>
    %slice3A = vector.extract_strided_slice %get3A_27 {offsets = [0, 0], sizes = [256, 64], strides = [1, 1]} : vector<256x256xf32> to vector<256x64xf32>
    %get3A_28 = arith.constant 0 : index
    %get3A_29 = arith.constant 0 : index
    %get3A_30 = arith.constant 0 : index
    %get3A_31 = arith.constant 0 : index
    %get3A_32 = vector.load %arg3[%get3A_28, %get3A_29, %get3A_30, %get3A_31] : memref<1x2x1024x256xf32, #tpu.memory_space<vmem>>, vector<1x1x1024x256xf32>
    %get3A_33 = vector.shape_cast %get3A_32 : vector<1x1x1024x256xf32> to vector<1024x256xf32>
    %slice3A_34 = vector.extract_strided_slice %get3A_33 {offsets = [0, 0], sizes = [1024, 64], strides = [1, 1]} : vector<1024x256xf32> to vector<1024x64xf32>
    %dot_general3A = arith.constant dense<0.000000e+00> : vector<256x1024xf32>
    %dot_general3A_35 = tpu.matmul %slice3A, %slice3A_34, %dot_general3A {dimension_numbers = #tpu.dot_dimension_numbers<[1], [1], [0], [0], [0, 0, 1, 0], [], []>, transpose_lhs_hint = false} : vector<256x64xf32>, vector<1024x64xf32>, vector<256x1024xf32> -> vector<256x1024xf32>
    %get3A_36 = arith.constant 0 : index
    %get3A_37 = arith.constant 1 : index
    %get3A_38 = arith.constant 0 : index
    %get3A_39 = arith.constant 0 : index
    %get3A_40 = vector.load %arg3[%get3A_36, %get3A_37, %get3A_38, %get3A_39] : memref<1x2x1024x256xf32, #tpu.memory_space<vmem>>, vector<1x1x1024x256xf32>
    %get3A_41 = vector.shape_cast %get3A_40 : vector<1x1x1024x256xf32> to vector<1024x256xf32>
    %slice3A_42 = vector.extract_strided_slice %get3A_41 {offsets = [0, 0], sizes = [1024, 64], strides = [1, 1]} : vector<1024x256xf32> to vector<1024x64xf32>
    %dot_general3A_43 = arith.constant dense<0.000000e+00> : vector<256x1024xf32>
    %dot_general3A_44 = tpu.matmul %slice3A, %slice3A_42, %dot_general3A_43 {dimension_numbers = #tpu.dot_dimension_numbers<[1], [1], [0], [0], [0, 0, 1, 0], [], []>, transpose_lhs_hint = false} : vector<256x64xf32>, vector<1024x64xf32>, vector<256x1024xf32> -> vector<256x1024xf32>
    %mul3A = arith.constant 6.250000e-02 : f32
    %mul3A_45 = vector.broadcast %mul3A : f32 to vector<256x1024xf32>
    %mul3A_46 = arith.mulf %dot_general3A_35, %mul3A_45 : vector<256x1024xf32>
    %jit3A = arith.constant -1.000000e+30 : f32
    %broadcast_in_dim3A = vector.broadcast %jit3A : f32 to vector<256x1024xf32>
    %select_n3A = arith.select %ge3A_9, %mul3A_46, %broadcast_in_dim3A : vector<256x1024xi1>, vector<256x1024xf32>
    %mul3A_47 = arith.constant 6.250000e-02 : f32
    %mul3A_48 = vector.broadcast %mul3A_47 : f32 to vector<256x1024xf32>
    %mul3A_49 = arith.mulf %dot_general3A_44, %mul3A_48 : vector<256x1024xf32>
    %jit3A_50 = arith.constant -1.000000e+30 : f32
    %broadcast_in_dim3A_51 = vector.broadcast %jit3A_50 : f32 to vector<256x1024xf32>
    %select_n3A_52 = arith.select %ge3A_9, %mul3A_49, %broadcast_in_dim3A_51 : vector<256x1024xi1>, vector<256x1024xf32>
    %reduce_max3A = arith.constant dense<0xFF800000> : vector<256xf32>
    %reduce_max3A_53 = vector.multi_reduction <maximumf>, %select_n3A, %reduce_max3A [1] : vector<256x1024xf32> to vector<256xf32>
    %broadcast_in_dim3A_54 = vector.shape_cast %reduce_max3A_53 : vector<256xf32> to vector<256x1xf32>
    %reduce_max3A_55 = arith.constant dense<0xFF800000> : vector<256xf32>
    %reduce_max3A_56 = vector.multi_reduction <maximumf>, %select_n3A_52, %reduce_max3A_55 [1] : vector<256x1024xf32> to vector<256xf32>
    %broadcast_in_dim3A_57 = vector.shape_cast %reduce_max3A_56 : vector<256xf32> to vector<256x1xf32>
    %max3A = arith.maximumf %broadcast_in_dim3A_54, %broadcast_in_dim3A_57 : vector<256x1xf32>
    %sub3A = vector.broadcast %max3A : vector<256x1xf32> to vector<256x1024xf32>
    %sub3A_58 = arith.subf %select_n3A, %sub3A : vector<256x1024xf32>
    %exp3A = math.exp %sub3A_58 : vector<256x1024xf32>
    %sub3A_59 = vector.broadcast %max3A : vector<256x1xf32> to vector<256x1024xf32>
    %sub3A_60 = arith.subf %select_n3A_52, %sub3A_59 : vector<256x1024xf32>
    %exp3A_61 = math.exp %sub3A_60 : vector<256x1024xf32>
    %reduce_sum3A = arith.constant dense<0.000000e+00> : vector<256xf32>
    %reduce_sum3A_62 = vector.multi_reduction <add>, %exp3A, %reduce_sum3A [1] : vector<256x1024xf32> to vector<256xf32>
    %broadcast_in_dim3A_63 = vector.shape_cast %reduce_sum3A_62 : vector<256xf32> to vector<256x1xf32>
    %reduce_sum3A_64 = arith.constant dense<0.000000e+00> : vector<256xf32>
    %reduce_sum3A_65 = vector.multi_reduction <add>, %exp3A_61, %reduce_sum3A_64 [1] : vector<256x1024xf32> to vector<256xf32>
    %broadcast_in_dim3A_66 = vector.shape_cast %reduce_sum3A_65 : vector<256xf32> to vector<256x1xf32>
    %add3A = arith.addf %broadcast_in_dim3A_63, %broadcast_in_dim3A_66 : vector<256x1xf32>
    %slice3A_67 = vector.extract_strided_slice %get3A_15 {offsets = [0, 0], sizes = [1024, 64], strides = [1, 1]} : vector<1024x256xf32> to vector<1024x64xf32>
    %dot_general3A_68 = arith.constant dense<0.000000e+00> : vector<256x64xf32>
    %dot_general3A_69 = tpu.matmul %exp3A, %slice3A_67, %dot_general3A_68 {dimension_numbers = #tpu.dot_dimension_numbers<[1], [0], [0], [1], [0, 0, 1, 1], [], []>, transpose_lhs_hint = false} : vector<256x1024xf32>, vector<1024x64xf32>, vector<256x64xf32> -> vector<256x64xf32>
    %slice3A_70 = vector.extract_strided_slice %get3A_21 {offsets = [0, 0], sizes = [1024, 64], strides = [1, 1]} : vector<1024x256xf32> to vector<1024x64xf32>
    %dot_general3A_71 = arith.constant dense<0.000000e+00> : vector<256x64xf32>
    %dot_general3A_72 = tpu.matmul %exp3A_61, %slice3A_70, %dot_general3A_71 {dimension_numbers = #tpu.dot_dimension_numbers<[1], [0], [0], [1], [0, 0, 1, 1], [], []>, transpose_lhs_hint = false} : vector<256x1024xf32>, vector<1024x64xf32>, vector<256x64xf32> -> vector<256x64xf32>
    %add3A_73 = arith.addf %dot_general3A_69, %dot_general3A_72 : vector<256x64xf32>
    %div3A = vector.broadcast %add3A : vector<256x1xf32> to vector<256x64xf32>
    %div3A_74 = arith.divf %add3A_73, %div3A : vector<256x64xf32>
    %slice3A_75 = vector.extract_strided_slice %get3A_27 {offsets = [0, 64], sizes = [256, 64], strides = [1, 1]} : vector<256x256xf32> to vector<256x64xf32>
    %get3A_76 = arith.constant 0 : index
    %get3A_77 = arith.constant 0 : index
    %get3A_78 = arith.constant 0 : index
    %get3A_79 = arith.constant 0 : index
    %get3A_80 = vector.load %arg3[%get3A_76, %get3A_77, %get3A_78, %get3A_79] : memref<1x2x1024x256xf32, #tpu.memory_space<vmem>>, vector<1x1x1024x256xf32>
    %get3A_81 = vector.shape_cast %get3A_80 : vector<1x1x1024x256xf32> to vector<1024x256xf32>
    %slice3A_82 = vector.extract_strided_slice %get3A_81 {offsets = [0, 64], sizes = [1024, 64], strides = [1, 1]} : vector<1024x256xf32> to vector<1024x64xf32>
    %dot_general3A_83 = arith.constant dense<0.000000e+00> : vector<256x1024xf32>
    %dot_general3A_84 = tpu.matmul %slice3A_75, %slice3A_82, %dot_general3A_83 {dimension_numbers = #tpu.dot_dimension_numbers<[1], [1], [0], [0], [0, 0, 1, 0], [], []>, transpose_lhs_hint = false} : vector<256x64xf32>, vector<1024x64xf32>, vector<256x1024xf32> -> vector<256x1024xf32>
    %get3A_85 = arith.constant 0 : index
    %get3A_86 = arith.constant 1 : index
    %get3A_87 = arith.constant 0 : index
    %get3A_88 = arith.constant 0 : index
    %get3A_89 = vector.load %arg3[%get3A_85, %get3A_86, %get3A_87, %get3A_88] : memref<1x2x1024x256xf32, #tpu.memory_space<vmem>>, vector<1x1x1024x256xf32>
    %get3A_90 = vector.shape_cast %get3A_89 : vector<1x1x1024x256xf32> to vector<1024x256xf32>
    %slice3A_91 = vector.extract_strided_slice %get3A_90 {offsets = [0, 64], sizes = [1024, 64], strides = [1, 1]} : vector<1024x256xf32> to vector<1024x64xf32>
    %dot_general3A_92 = arith.constant dense<0.000000e+00> : vector<256x1024xf32>
    %dot_general3A_93 = tpu.matmul %slice3A_75, %slice3A_91, %dot_general3A_92 {dimension_numbers = #tpu.dot_dimension_numbers<[1], [1], [0], [0], [0, 0, 1, 0], [], []>, transpose_lhs_hint = false} : vector<256x64xf32>, vector<1024x64xf32>, vector<256x1024xf32> -> vector<256x1024xf32>
    %mul3A_94 = arith.constant 6.250000e-02 : f32
    %mul3A_95 = vector.broadcast %mul3A_94 : f32 to vector<256x1024xf32>
    %mul3A_96 = arith.mulf %dot_general3A_84, %mul3A_95 : vector<256x1024xf32>
    %jit3A_97 = arith.constant -1.000000e+30 : f32
    %broadcast_in_dim3A_98 = vector.broadcast %jit3A_97 : f32 to vector<256x1024xf32>
    %select_n3A_99 = arith.select %ge3A_9, %mul3A_96, %broadcast_in_dim3A_98 : vector<256x1024xi1>, vector<256x1024xf32>
    %mul3A_100 = arith.constant 6.250000e-02 : f32
    %mul3A_101 = vector.broadcast %mul3A_100 : f32 to vector<256x1024xf32>
    %mul3A_102 = arith.mulf %dot_general3A_93, %mul3A_101 : vector<256x1024xf32>
    %jit3A_103 = arith.constant -1.000000e+30 : f32
    %broadcast_in_dim3A_104 = vector.broadcast %jit3A_103 : f32 to vector<256x1024xf32>
    %select_n3A_105 = arith.select %ge3A_9, %mul3A_102, %broadcast_in_dim3A_104 : vector<256x1024xi1>, vector<256x1024xf32>
    %reduce_max3A_106 = arith.constant dense<0xFF800000> : vector<256xf32>
    %reduce_max3A_107 = vector.multi_reduction <maximumf>, %select_n3A_99, %reduce_max3A_106 [1] : vector<256x1024xf32> to vector<256xf32>
    %broadcast_in_dim3A_108 = vector.shape_cast %reduce_max3A_107 : vector<256xf32> to vector<256x1xf32>
    %reduce_max3A_109 = arith.constant dense<0xFF800000> : vector<256xf32>
    %reduce_max3A_110 = vector.multi_reduction <maximumf>, %select_n3A_105, %reduce_max3A_109 [1] : vector<256x1024xf32> to vector<256xf32>
    %broadcast_in_dim3A_111 = vector.shape_cast %reduce_max3A_110 : vector<256xf32> to vector<256x1xf32>
    %max3A_112 = arith.maximumf %broadcast_in_dim3A_108, %broadcast_in_dim3A_111 : vector<256x1xf32>
    %sub3A_113 = vector.broadcast %max3A_112 : vector<256x1xf32> to vector<256x1024xf32>
    %sub3A_114 = arith.subf %select_n3A_99, %sub3A_113 : vector<256x1024xf32>
    %exp3A_115 = math.exp %sub3A_114 : vector<256x1024xf32>
    %sub3A_116 = vector.broadcast %max3A_112 : vector<256x1xf32> to vector<256x1024xf32>
    %sub3A_117 = arith.subf %select_n3A_105, %sub3A_116 : vector<256x1024xf32>
    %exp3A_118 = math.exp %sub3A_117 : vector<256x1024xf32>
    %reduce_sum3A_119 = arith.constant dense<0.000000e+00> : vector<256xf32>
    %reduce_sum3A_120 = vector.multi_reduction <add>, %exp3A_115, %reduce_sum3A_119 [1] : vector<256x1024xf32> to vector<256xf32>
    %broadcast_in_dim3A_121 = vector.shape_cast %reduce_sum3A_120 : vector<256xf32> to vector<256x1xf32>
    %reduce_sum3A_122 = arith.constant dense<0.000000e+00> : vector<256xf32>
    %reduce_sum3A_123 = vector.multi_reduction <add>, %exp3A_118, %reduce_sum3A_122 [1] : vector<256x1024xf32> to vector<256xf32>
    %broadcast_in_dim3A_124 = vector.shape_cast %reduce_sum3A_123 : vector<256xf32> to vector<256x1xf32>
    %add3A_125 = arith.addf %broadcast_in_dim3A_121, %broadcast_in_dim3A_124 : vector<256x1xf32>
    %slice3A_126 = vector.extract_strided_slice %get3A_15 {offsets = [0, 64], sizes = [1024, 64], strides = [1, 1]} : vector<1024x256xf32> to vector<1024x64xf32>
    %dot_general3A_127 = arith.constant dense<0.000000e+00> : vector<256x64xf32>
    %dot_general3A_128 = tpu.matmul %exp3A_115, %slice3A_126, %dot_general3A_127 {dimension_numbers = #tpu.dot_dimension_numbers<[1], [0], [0], [1], [0, 0, 1, 1], [], []>, transpose_lhs_hint = false} : vector<256x1024xf32>, vector<1024x64xf32>, vector<256x64xf32> -> vector<256x64xf32>
    %slice3A_129 = vector.extract_strided_slice %get3A_21 {offsets = [0, 64], sizes = [1024, 64], strides = [1, 1]} : vector<1024x256xf32> to vector<1024x64xf32>
    %dot_general3A_130 = arith.constant dense<0.000000e+00> : vector<256x64xf32>
    %dot_general3A_131 = tpu.matmul %exp3A_118, %slice3A_129, %dot_general3A_130 {dimension_numbers = #tpu.dot_dimension_numbers<[1], [0], [0], [1], [0, 0, 1, 1], [], []>, transpose_lhs_hint = false} : vector<256x1024xf32>, vector<1024x64xf32>, vector<256x64xf32> -> vector<256x64xf32>
    %add3A_132 = arith.addf %dot_general3A_128, %dot_general3A_131 : vector<256x64xf32>
    %div3A_133 = vector.broadcast %add3A_125 : vector<256x1xf32> to vector<256x64xf32>
    %div3A_134 = arith.divf %add3A_132, %div3A_133 : vector<256x64xf32>
    %slice3A_135 = vector.extract_strided_slice %get3A_27 {offsets = [0, 128], sizes = [256, 64], strides = [1, 1]} : vector<256x256xf32> to vector<256x64xf32>
    %get3A_136 = arith.constant 0 : index
    %get3A_137 = arith.constant 0 : index
    %get3A_138 = arith.constant 0 : index
    %get3A_139 = arith.constant 0 : index
    %get3A_140 = vector.load %arg3[%get3A_136, %get3A_137, %get3A_138, %get3A_139] : memref<1x2x1024x256xf32, #tpu.memory_space<vmem>>, vector<1x1x1024x256xf32>
    %get3A_141 = vector.shape_cast %get3A_140 : vector<1x1x1024x256xf32> to vector<1024x256xf32>
    %slice3A_142 = vector.extract_strided_slice %get3A_141 {offsets = [0, 128], sizes = [1024, 64], strides = [1, 1]} : vector<1024x256xf32> to vector<1024x64xf32>
    %dot_general3A_143 = arith.constant dense<0.000000e+00> : vector<256x1024xf32>
    %dot_general3A_144 = tpu.matmul %slice3A_135, %slice3A_142, %dot_general3A_143 {dimension_numbers = #tpu.dot_dimension_numbers<[1], [1], [0], [0], [0, 0, 1, 0], [], []>, transpose_lhs_hint = false} : vector<256x64xf32>, vector<1024x64xf32>, vector<256x1024xf32> -> vector<256x1024xf32>
    %get3A_145 = arith.constant 0 : index
    %get3A_146 = arith.constant 1 : index
    %get3A_147 = arith.constant 0 : index
    %get3A_148 = arith.constant 0 : index
    %get3A_149 = vector.load %arg3[%get3A_145, %get3A_146, %get3A_147, %get3A_148] : memref<1x2x1024x256xf32, #tpu.memory_space<vmem>>, vector<1x1x1024x256xf32>
    %get3A_150 = vector.shape_cast %get3A_149 : vector<1x1x1024x256xf32> to vector<1024x256xf32>
    %slice3A_151 = vector.extract_strided_slice %get3A_150 {offsets = [0, 128], sizes = [1024, 64], strides = [1, 1]} : vector<1024x256xf32> to vector<1024x64xf32>
    %dot_general3A_152 = arith.constant dense<0.000000e+00> : vector<256x1024xf32>
    %dot_general3A_153 = tpu.matmul %slice3A_135, %slice3A_151, %dot_general3A_152 {dimension_numbers = #tpu.dot_dimension_numbers<[1], [1], [0], [0], [0, 0, 1, 0], [], []>, transpose_lhs_hint = false} : vector<256x64xf32>, vector<1024x64xf32>, vector<256x1024xf32> -> vector<256x1024xf32>
    %mul3A_154 = arith.constant 6.250000e-02 : f32
    %mul3A_155 = vector.broadcast %mul3A_154 : f32 to vector<256x1024xf32>
    %mul3A_156 = arith.mulf %dot_general3A_144, %mul3A_155 : vector<256x1024xf32>
    %jit3A_157 = arith.constant -1.000000e+30 : f32
    %broadcast_in_dim3A_158 = vector.broadcast %jit3A_157 : f32 to vector<256x1024xf32>
    %select_n3A_159 = arith.select %ge3A_9, %mul3A_156, %broadcast_in_dim3A_158 : vector<256x1024xi1>, vector<256x1024xf32>
    %mul3A_160 = arith.constant 6.250000e-02 : f32
    %mul3A_161 = vector.broadcast %mul3A_160 : f32 to vector<256x1024xf32>
    %mul3A_162 = arith.mulf %dot_general3A_153, %mul3A_161 : vector<256x1024xf32>
    %jit3A_163 = arith.constant -1.000000e+30 : f32
    %broadcast_in_dim3A_164 = vector.broadcast %jit3A_163 : f32 to vector<256x1024xf32>
    %select_n3A_165 = arith.select %ge3A_9, %mul3A_162, %broadcast_in_dim3A_164 : vector<256x1024xi1>, vector<256x1024xf32>
    %reduce_max3A_166 = arith.constant dense<0xFF800000> : vector<256xf32>
    %reduce_max3A_167 = vector.multi_reduction <maximumf>, %select_n3A_159, %reduce_max3A_166 [1] : vector<256x1024xf32> to vector<256xf32>
    %broadcast_in_dim3A_168 = vector.shape_cast %reduce_max3A_167 : vector<256xf32> to vector<256x1xf32>
    %reduce_max3A_169 = arith.constant dense<0xFF800000> : vector<256xf32>
    %reduce_max3A_170 = vector.multi_reduction <maximumf>, %select_n3A_165, %reduce_max3A_169 [1] : vector<256x1024xf32> to vector<256xf32>
    %broadcast_in_dim3A_171 = vector.shape_cast %reduce_max3A_170 : vector<256xf32> to vector<256x1xf32>
    %max3A_172 = arith.maximumf %broadcast_in_dim3A_168, %broadcast_in_dim3A_171 : vector<256x1xf32>
    %sub3A_173 = vector.broadcast %max3A_172 : vector<256x1xf32> to vector<256x1024xf32>
    %sub3A_174 = arith.subf %select_n3A_159, %sub3A_173 : vector<256x1024xf32>
    %exp3A_175 = math.exp %sub3A_174 : vector<256x1024xf32>
    %sub3A_176 = vector.broadcast %max3A_172 : vector<256x1xf32> to vector<256x1024xf32>
    %sub3A_177 = arith.subf %select_n3A_165, %sub3A_176 : vector<256x1024xf32>
    %exp3A_178 = math.exp %sub3A_177 : vector<256x1024xf32>
    %reduce_sum3A_179 = arith.constant dense<0.000000e+00> : vector<256xf32>
    %reduce_sum3A_180 = vector.multi_reduction <add>, %exp3A_175, %reduce_sum3A_179 [1] : vector<256x1024xf32> to vector<256xf32>
    %broadcast_in_dim3A_181 = vector.shape_cast %reduce_sum3A_180 : vector<256xf32> to vector<256x1xf32>
    %reduce_sum3A_182 = arith.constant dense<0.000000e+00> : vector<256xf32>
    %reduce_sum3A_183 = vector.multi_reduction <add>, %exp3A_178, %reduce_sum3A_182 [1] : vector<256x1024xf32> to vector<256xf32>
    %broadcast_in_dim3A_184 = vector.shape_cast %reduce_sum3A_183 : vector<256xf32> to vector<256x1xf32>
    %add3A_185 = arith.addf %broadcast_in_dim3A_181, %broadcast_in_dim3A_184 : vector<256x1xf32>
    %slice3A_186 = vector.extract_strided_slice %get3A_15 {offsets = [0, 128], sizes = [1024, 64], strides = [1, 1]} : vector<1024x256xf32> to vector<1024x64xf32>
    %dot_general3A_187 = arith.constant dense<0.000000e+00> : vector<256x64xf32>
    %dot_general3A_188 = tpu.matmul %exp3A_175, %slice3A_186, %dot_general3A_187 {dimension_numbers = #tpu.dot_dimension_numbers<[1], [0], [0], [1], [0, 0, 1, 1], [], []>, transpose_lhs_hint = false} : vector<256x1024xf32>, vector<1024x64xf32>, vector<256x64xf32> -> vector<256x64xf32>
    %slice3A_189 = vector.extract_strided_slice %get3A_21 {offsets = [0, 128], sizes = [1024, 64], strides = [1, 1]} : vector<1024x256xf32> to vector<1024x64xf32>
    %dot_general3A_190 = arith.constant dense<0.000000e+00> : vector<256x64xf32>
    %dot_general3A_191 = tpu.matmul %exp3A_178, %slice3A_189, %dot_general3A_190 {dimension_numbers = #tpu.dot_dimension_numbers<[1], [0], [0], [1], [0, 0, 1, 1], [], []>, transpose_lhs_hint = false} : vector<256x1024xf32>, vector<1024x64xf32>, vector<256x64xf32> -> vector<256x64xf32>
    %add3A_192 = arith.addf %dot_general3A_188, %dot_general3A_191 : vector<256x64xf32>
    %div3A_193 = vector.broadcast %add3A_185 : vector<256x1xf32> to vector<256x64xf32>
    %div3A_194 = arith.divf %add3A_192, %div3A_193 : vector<256x64xf32>
    %slice3A_195 = vector.extract_strided_slice %get3A_27 {offsets = [0, 192], sizes = [256, 64], strides = [1, 1]} : vector<256x256xf32> to vector<256x64xf32>
    %get3A_196 = arith.constant 0 : index
    %get3A_197 = arith.constant 0 : index
    %get3A_198 = arith.constant 0 : index
    %get3A_199 = arith.constant 0 : index
    %get3A_200 = vector.load %arg3[%get3A_196, %get3A_197, %get3A_198, %get3A_199] : memref<1x2x1024x256xf32, #tpu.memory_space<vmem>>, vector<1x1x1024x256xf32>
    %get3A_201 = vector.shape_cast %get3A_200 : vector<1x1x1024x256xf32> to vector<1024x256xf32>
    %slice3A_202 = vector.extract_strided_slice %get3A_201 {offsets = [0, 192], sizes = [1024, 64], strides = [1, 1]} : vector<1024x256xf32> to vector<1024x64xf32>
    %dot_general3A_203 = arith.constant dense<0.000000e+00> : vector<256x1024xf32>
    %dot_general3A_204 = tpu.matmul %slice3A_195, %slice3A_202, %dot_general3A_203 {dimension_numbers = #tpu.dot_dimension_numbers<[1], [1], [0], [0], [0, 0, 1, 0], [], []>, transpose_lhs_hint = false} : vector<256x64xf32>, vector<1024x64xf32>, vector<256x1024xf32> -> vector<256x1024xf32>
    %get3A_205 = arith.constant 0 : index
    %get3A_206 = arith.constant 1 : index
    %get3A_207 = arith.constant 0 : index
    %get3A_208 = arith.constant 0 : index
    %get3A_209 = vector.load %arg3[%get3A_205, %get3A_206, %get3A_207, %get3A_208] : memref<1x2x1024x256xf32, #tpu.memory_space<vmem>>, vector<1x1x1024x256xf32>
    %get3A_210 = vector.shape_cast %get3A_209 : vector<1x1x1024x256xf32> to vector<1024x256xf32>
    %slice3A_211 = vector.extract_strided_slice %get3A_210 {offsets = [0, 192], sizes = [1024, 64], strides = [1, 1]} : vector<1024x256xf32> to vector<1024x64xf32>
    %dot_general3A_212 = arith.constant dense<0.000000e+00> : vector<256x1024xf32>
    %dot_general3A_213 = tpu.matmul %slice3A_195, %slice3A_211, %dot_general3A_212 {dimension_numbers = #tpu.dot_dimension_numbers<[1], [1], [0], [0], [0, 0, 1, 0], [], []>, transpose_lhs_hint = false} : vector<256x64xf32>, vector<1024x64xf32>, vector<256x1024xf32> -> vector<256x1024xf32>
    %mul3A_214 = arith.constant 6.250000e-02 : f32
    %mul3A_215 = vector.broadcast %mul3A_214 : f32 to vector<256x1024xf32>
    %mul3A_216 = arith.mulf %dot_general3A_204, %mul3A_215 : vector<256x1024xf32>
    %jit3A_217 = arith.constant -1.000000e+30 : f32
    %broadcast_in_dim3A_218 = vector.broadcast %jit3A_217 : f32 to vector<256x1024xf32>
    %select_n3A_219 = arith.select %ge3A_9, %mul3A_216, %broadcast_in_dim3A_218 : vector<256x1024xi1>, vector<256x1024xf32>
    %mul3A_220 = arith.constant 6.250000e-02 : f32
    %mul3A_221 = vector.broadcast %mul3A_220 : f32 to vector<256x1024xf32>
    %mul3A_222 = arith.mulf %dot_general3A_213, %mul3A_221 : vector<256x1024xf32>
    %jit3A_223 = arith.constant -1.000000e+30 : f32
    %broadcast_in_dim3A_224 = vector.broadcast %jit3A_223 : f32 to vector<256x1024xf32>
    %select_n3A_225 = arith.select %ge3A_9, %mul3A_222, %broadcast_in_dim3A_224 : vector<256x1024xi1>, vector<256x1024xf32>
    %reduce_max3A_226 = arith.constant dense<0xFF800000> : vector<256xf32>
    %reduce_max3A_227 = vector.multi_reduction <maximumf>, %select_n3A_219, %reduce_max3A_226 [1] : vector<256x1024xf32> to vector<256xf32>
    %broadcast_in_dim3A_228 = vector.shape_cast %reduce_max3A_227 : vector<256xf32> to vector<256x1xf32>
    %reduce_max3A_229 = arith.constant dense<0xFF800000> : vector<256xf32>
    %reduce_max3A_230 = vector.multi_reduction <maximumf>, %select_n3A_225, %reduce_max3A_229 [1] : vector<256x1024xf32> to vector<256xf32>
    %broadcast_in_dim3A_231 = vector.shape_cast %reduce_max3A_230 : vector<256xf32> to vector<256x1xf32>
    %max3A_232 = arith.maximumf %broadcast_in_dim3A_228, %broadcast_in_dim3A_231 : vector<256x1xf32>
    %sub3A_233 = vector.broadcast %max3A_232 : vector<256x1xf32> to vector<256x1024xf32>
    %sub3A_234 = arith.subf %select_n3A_219, %sub3A_233 : vector<256x1024xf32>
    %exp3A_235 = math.exp %sub3A_234 : vector<256x1024xf32>
    %sub3A_236 = vector.broadcast %max3A_232 : vector<256x1xf32> to vector<256x1024xf32>
    %sub3A_237 = arith.subf %select_n3A_225, %sub3A_236 : vector<256x1024xf32>
    %exp3A_238 = math.exp %sub3A_237 : vector<256x1024xf32>
    %reduce_sum3A_239 = arith.constant dense<0.000000e+00> : vector<256xf32>
    %reduce_sum3A_240 = vector.multi_reduction <add>, %exp3A_235, %reduce_sum3A_239 [1] : vector<256x1024xf32> to vector<256xf32>
    %broadcast_in_dim3A_241 = vector.shape_cast %reduce_sum3A_240 : vector<256xf32> to vector<256x1xf32>
    %reduce_sum3A_242 = arith.constant dense<0.000000e+00> : vector<256xf32>
    %reduce_sum3A_243 = vector.multi_reduction <add>, %exp3A_238, %reduce_sum3A_242 [1] : vector<256x1024xf32> to vector<256xf32>
    %broadcast_in_dim3A_244 = vector.shape_cast %reduce_sum3A_243 : vector<256xf32> to vector<256x1xf32>
    %add3A_245 = arith.addf %broadcast_in_dim3A_241, %broadcast_in_dim3A_244 : vector<256x1xf32>
    %slice3A_246 = vector.extract_strided_slice %get3A_15 {offsets = [0, 192], sizes = [1024, 64], strides = [1, 1]} : vector<1024x256xf32> to vector<1024x64xf32>
    %dot_general3A_247 = arith.constant dense<0.000000e+00> : vector<256x64xf32>
    %dot_general3A_248 = tpu.matmul %exp3A_235, %slice3A_246, %dot_general3A_247 {dimension_numbers = #tpu.dot_dimension_numbers<[1], [0], [0], [1], [0, 0, 1, 1], [], []>, transpose_lhs_hint = false} : vector<256x1024xf32>, vector<1024x64xf32>, vector<256x64xf32> -> vector<256x64xf32>
    %slice3A_249 = vector.extract_strided_slice %get3A_21 {offsets = [0, 192], sizes = [1024, 64], strides = [1, 1]} : vector<1024x256xf32> to vector<1024x64xf32>
    %dot_general3A_250 = arith.constant dense<0.000000e+00> : vector<256x64xf32>
    %dot_general3A_251 = tpu.matmul %exp3A_238, %slice3A_249, %dot_general3A_250 {dimension_numbers = #tpu.dot_dimension_numbers<[1], [0], [0], [1], [0, 0, 1, 1], [], []>, transpose_lhs_hint = false} : vector<256x1024xf32>, vector<1024x64xf32>, vector<256x64xf32> -> vector<256x64xf32>
    %add3A_252 = arith.addf %dot_general3A_248, %dot_general3A_251 : vector<256x64xf32>
    %div3A_253 = vector.broadcast %add3A_245 : vector<256x1xf32> to vector<256x64xf32>
    %div3A_254 = arith.divf %add3A_252, %div3A_253 : vector<256x64xf32>
    %concatenate3A = tpu.concatenate %div3A_74, %div3A_134, %div3A_194, %div3A_254 in 1 : vector<256x64xf32>, vector<256x64xf32>, vector<256x64xf32>, vector<256x64xf32> -> vector<256x256xf32>
    %get3A_255 = arith.constant 0 : index
    %get3A_256 = arith.constant 1 : index
    %get3A_257 = arith.constant 0 : index
    %get3A_258 = arith.constant 0 : index
    %get3A_259 = vector.load %arg2[%get3A_255, %get3A_256, %get3A_257, %get3A_258] : memref<1x2x256x256xf32, #tpu.memory_space<vmem>>, vector<1x1x256x256xf32>
    %get3A_260 = vector.shape_cast %get3A_259 : vector<1x1x256x256xf32> to vector<256x256xf32>
    %slice3A_261 = vector.extract_strided_slice %get3A_260 {offsets = [0, 0], sizes = [256, 64], strides = [1, 1]} : vector<256x256xf32> to vector<256x64xf32>
    %get3A_262 = arith.constant 0 : index
    %get3A_263 = arith.constant 0 : index
    %get3A_264 = arith.constant 0 : index
    %get3A_265 = arith.constant 0 : index
    %get3A_266 = vector.load %arg3[%get3A_262, %get3A_263, %get3A_264, %get3A_265] : memref<1x2x1024x256xf32, #tpu.memory_space<vmem>>, vector<1x1x1024x256xf32>
    %get3A_267 = vector.shape_cast %get3A_266 : vector<1x1x1024x256xf32> to vector<1024x256xf32>
    %slice3A_268 = vector.extract_strided_slice %get3A_267 {offsets = [0, 0], sizes = [1024, 64], strides = [1, 1]} : vector<1024x256xf32> to vector<1024x64xf32>
    %dot_general3A_269 = arith.constant dense<0.000000e+00> : vector<256x1024xf32>
    %dot_general3A_270 = tpu.matmul %slice3A_261, %slice3A_268, %dot_general3A_269 {dimension_numbers = #tpu.dot_dimension_numbers<[1], [1], [0], [0], [0, 0, 1, 0], [], []>, transpose_lhs_hint = false} : vector<256x64xf32>, vector<1024x64xf32>, vector<256x1024xf32> -> vector<256x1024xf32>
    %get3A_271 = arith.constant 0 : index
    %get3A_272 = arith.constant 1 : index
    %get3A_273 = arith.constant 0 : index
    %get3A_274 = arith.constant 0 : index
    %get3A_275 = vector.load %arg3[%get3A_271, %get3A_272, %get3A_273, %get3A_274] : memref<1x2x1024x256xf32, #tpu.memory_space<vmem>>, vector<1x1x1024x256xf32>
    %get3A_276 = vector.shape_cast %get3A_275 : vector<1x1x1024x256xf32> to vector<1024x256xf32>
    %slice3A_277 = vector.extract_strided_slice %get3A_276 {offsets = [0, 0], sizes = [1024, 64], strides = [1, 1]} : vector<1024x256xf32> to vector<1024x64xf32>
    %dot_general3A_278 = arith.constant dense<0.000000e+00> : vector<256x1024xf32>
    %dot_general3A_279 = tpu.matmul %slice3A_261, %slice3A_277, %dot_general3A_278 {dimension_numbers = #tpu.dot_dimension_numbers<[1], [1], [0], [0], [0, 0, 1, 0], [], []>, transpose_lhs_hint = false} : vector<256x64xf32>, vector<1024x64xf32>, vector<256x1024xf32> -> vector<256x1024xf32>
    %mul3A_280 = arith.constant 6.250000e-02 : f32
    %mul3A_281 = vector.broadcast %mul3A_280 : f32 to vector<256x1024xf32>
    %mul3A_282 = arith.mulf %dot_general3A_270, %mul3A_281 : vector<256x1024xf32>
    %jit3A_283 = arith.constant -1.000000e+30 : f32
    %broadcast_in_dim3A_284 = vector.broadcast %jit3A_283 : f32 to vector<256x1024xf32>
    %select_n3A_285 = arith.select %ge3A_9, %mul3A_282, %broadcast_in_dim3A_284 : vector<256x1024xi1>, vector<256x1024xf32>
    %mul3A_286 = arith.constant 6.250000e-02 : f32
    %mul3A_287 = vector.broadcast %mul3A_286 : f32 to vector<256x1024xf32>
    %mul3A_288 = arith.mulf %dot_general3A_279, %mul3A_287 : vector<256x1024xf32>
    %jit3A_289 = arith.constant -1.000000e+30 : f32
    %broadcast_in_dim3A_290 = vector.broadcast %jit3A_289 : f32 to vector<256x1024xf32>
    %select_n3A_291 = arith.select %ge3A_9, %mul3A_288, %broadcast_in_dim3A_290 : vector<256x1024xi1>, vector<256x1024xf32>
    %reduce_max3A_292 = arith.constant dense<0xFF800000> : vector<256xf32>
    %reduce_max3A_293 = vector.multi_reduction <maximumf>, %select_n3A_285, %reduce_max3A_292 [1] : vector<256x1024xf32> to vector<256xf32>
    %broadcast_in_dim3A_294 = vector.shape_cast %reduce_max3A_293 : vector<256xf32> to vector<256x1xf32>
    %reduce_max3A_295 = arith.constant dense<0xFF800000> : vector<256xf32>
    %reduce_max3A_296 = vector.multi_reduction <maximumf>, %select_n3A_291, %reduce_max3A_295 [1] : vector<256x1024xf32> to vector<256xf32>
    %broadcast_in_dim3A_297 = vector.shape_cast %reduce_max3A_296 : vector<256xf32> to vector<256x1xf32>
    %max3A_298 = arith.maximumf %broadcast_in_dim3A_294, %broadcast_in_dim3A_297 : vector<256x1xf32>
    %sub3A_299 = vector.broadcast %max3A_298 : vector<256x1xf32> to vector<256x1024xf32>
    %sub3A_300 = arith.subf %select_n3A_285, %sub3A_299 : vector<256x1024xf32>
    %exp3A_301 = math.exp %sub3A_300 : vector<256x1024xf32>
    %sub3A_302 = vector.broadcast %max3A_298 : vector<256x1xf32> to vector<256x1024xf32>
    %sub3A_303 = arith.subf %select_n3A_291, %sub3A_302 : vector<256x1024xf32>
    %exp3A_304 = math.exp %sub3A_303 : vector<256x1024xf32>
    %reduce_sum3A_305 = arith.constant dense<0.000000e+00> : vector<256xf32>
    %reduce_sum3A_306 = vector.multi_reduction <add>, %exp3A_301, %reduce_sum3A_305 [1] : vector<256x1024xf32> to vector<256xf32>
    %broadcast_in_dim3A_307 = vector.shape_cast %reduce_sum3A_306 : vector<256xf32> to vector<256x1xf32>
    %reduce_sum3A_308 = arith.constant dense<0.000000e+00> : vector<256xf32>
    %reduce_sum3A_309 = vector.multi_reduction <add>, %exp3A_304, %reduce_sum3A_308 [1] : vector<256x1024xf32> to vector<256xf32>
    %broadcast_in_dim3A_310 = vector.shape_cast %reduce_sum3A_309 : vector<256xf32> to vector<256x1xf32>
    %add3A_311 = arith.addf %broadcast_in_dim3A_307, %broadcast_in_dim3A_310 : vector<256x1xf32>
    %slice3A_312 = vector.extract_strided_slice %get3A_15 {offsets = [0, 0], sizes = [1024, 64], strides = [1, 1]} : vector<1024x256xf32> to vector<1024x64xf32>
    %dot_general3A_313 = arith.constant dense<0.000000e+00> : vector<256x64xf32>
    %dot_general3A_314 = tpu.matmul %exp3A_301, %slice3A_312, %dot_general3A_313 {dimension_numbers = #tpu.dot_dimension_numbers<[1], [0], [0], [1], [0, 0, 1, 1], [], []>, transpose_lhs_hint = false} : vector<256x1024xf32>, vector<1024x64xf32>, vector<256x64xf32> -> vector<256x64xf32>
    %slice3A_315 = vector.extract_strided_slice %get3A_21 {offsets = [0, 0], sizes = [1024, 64], strides = [1, 1]} : vector<1024x256xf32> to vector<1024x64xf32>
    %dot_general3A_316 = arith.constant dense<0.000000e+00> : vector<256x64xf32>
    %dot_general3A_317 = tpu.matmul %exp3A_304, %slice3A_315, %dot_general3A_316 {dimension_numbers = #tpu.dot_dimension_numbers<[1], [0], [0], [1], [0, 0, 1, 1], [], []>, transpose_lhs_hint = false} : vector<256x1024xf32>, vector<1024x64xf32>, vector<256x64xf32> -> vector<256x64xf32>
    %add3A_318 = arith.addf %dot_general3A_314, %dot_general3A_317 : vector<256x64xf32>
    %div3A_319 = vector.broadcast %add3A_311 : vector<256x1xf32> to vector<256x64xf32>
    %div3A_320 = arith.divf %add3A_318, %div3A_319 : vector<256x64xf32>
    %slice3A_321 = vector.extract_strided_slice %get3A_260 {offsets = [0, 64], sizes = [256, 64], strides = [1, 1]} : vector<256x256xf32> to vector<256x64xf32>
    %get3A_322 = arith.constant 0 : index
    %get3A_323 = arith.constant 0 : index
    %get3A_324 = arith.constant 0 : index
    %get3A_325 = arith.constant 0 : index
    %get3A_326 = vector.load %arg3[%get3A_322, %get3A_323, %get3A_324, %get3A_325] : memref<1x2x1024x256xf32, #tpu.memory_space<vmem>>, vector<1x1x1024x256xf32>
    %get3A_327 = vector.shape_cast %get3A_326 : vector<1x1x1024x256xf32> to vector<1024x256xf32>
    %slice3A_328 = vector.extract_strided_slice %get3A_327 {offsets = [0, 64], sizes = [1024, 64], strides = [1, 1]} : vector<1024x256xf32> to vector<1024x64xf32>
    %dot_general3A_329 = arith.constant dense<0.000000e+00> : vector<256x1024xf32>
    %dot_general3A_330 = tpu.matmul %slice3A_321, %slice3A_328, %dot_general3A_329 {dimension_numbers = #tpu.dot_dimension_numbers<[1], [1], [0], [0], [0, 0, 1, 0], [], []>, transpose_lhs_hint = false} : vector<256x64xf32>, vector<1024x64xf32>, vector<256x1024xf32> -> vector<256x1024xf32>
    %get3A_331 = arith.constant 0 : index
    %get3A_332 = arith.constant 1 : index
    %get3A_333 = arith.constant 0 : index
    %get3A_334 = arith.constant 0 : index
    %get3A_335 = vector.load %arg3[%get3A_331, %get3A_332, %get3A_333, %get3A_334] : memref<1x2x1024x256xf32, #tpu.memory_space<vmem>>, vector<1x1x1024x256xf32>
    %get3A_336 = vector.shape_cast %get3A_335 : vector<1x1x1024x256xf32> to vector<1024x256xf32>
    %slice3A_337 = vector.extract_strided_slice %get3A_336 {offsets = [0, 64], sizes = [1024, 64], strides = [1, 1]} : vector<1024x256xf32> to vector<1024x64xf32>
    %dot_general3A_338 = arith.constant dense<0.000000e+00> : vector<256x1024xf32>
    %dot_general3A_339 = tpu.matmul %slice3A_321, %slice3A_337, %dot_general3A_338 {dimension_numbers = #tpu.dot_dimension_numbers<[1], [1], [0], [0], [0, 0, 1, 0], [], []>, transpose_lhs_hint = false} : vector<256x64xf32>, vector<1024x64xf32>, vector<256x1024xf32> -> vector<256x1024xf32>
    %mul3A_340 = arith.constant 6.250000e-02 : f32
    %mul3A_341 = vector.broadcast %mul3A_340 : f32 to vector<256x1024xf32>
    %mul3A_342 = arith.mulf %dot_general3A_330, %mul3A_341 : vector<256x1024xf32>
    %jit3A_343 = arith.constant -1.000000e+30 : f32
    %broadcast_in_dim3A_344 = vector.broadcast %jit3A_343 : f32 to vector<256x1024xf32>
    %select_n3A_345 = arith.select %ge3A_9, %mul3A_342, %broadcast_in_dim3A_344 : vector<256x1024xi1>, vector<256x1024xf32>
    %mul3A_346 = arith.constant 6.250000e-02 : f32
    %mul3A_347 = vector.broadcast %mul3A_346 : f32 to vector<256x1024xf32>
    %mul3A_348 = arith.mulf %dot_general3A_339, %mul3A_347 : vector<256x1024xf32>
    %jit3A_349 = arith.constant -1.000000e+30 : f32
    %broadcast_in_dim3A_350 = vector.broadcast %jit3A_349 : f32 to vector<256x1024xf32>
    %select_n3A_351 = arith.select %ge3A_9, %mul3A_348, %broadcast_in_dim3A_350 : vector<256x1024xi1>, vector<256x1024xf32>
    %reduce_max3A_352 = arith.constant dense<0xFF800000> : vector<256xf32>
    %reduce_max3A_353 = vector.multi_reduction <maximumf>, %select_n3A_345, %reduce_max3A_352 [1] : vector<256x1024xf32> to vector<256xf32>
    %broadcast_in_dim3A_354 = vector.shape_cast %reduce_max3A_353 : vector<256xf32> to vector<256x1xf32>
    %reduce_max3A_355 = arith.constant dense<0xFF800000> : vector<256xf32>
    %reduce_max3A_356 = vector.multi_reduction <maximumf>, %select_n3A_351, %reduce_max3A_355 [1] : vector<256x1024xf32> to vector<256xf32>
    %broadcast_in_dim3A_357 = vector.shape_cast %reduce_max3A_356 : vector<256xf32> to vector<256x1xf32>
    %max3A_358 = arith.maximumf %broadcast_in_dim3A_354, %broadcast_in_dim3A_357 : vector<256x1xf32>
    %sub3A_359 = vector.broadcast %max3A_358 : vector<256x1xf32> to vector<256x1024xf32>
    %sub3A_360 = arith.subf %select_n3A_345, %sub3A_359 : vector<256x1024xf32>
    %exp3A_361 = math.exp %sub3A_360 : vector<256x1024xf32>
    %sub3A_362 = vector.broadcast %max3A_358 : vector<256x1xf32> to vector<256x1024xf32>
    %sub3A_363 = arith.subf %select_n3A_351, %sub3A_362 : vector<256x1024xf32>
    %exp3A_364 = math.exp %sub3A_363 : vector<256x1024xf32>
    %reduce_sum3A_365 = arith.constant dense<0.000000e+00> : vector<256xf32>
    %reduce_sum3A_366 = vector.multi_reduction <add>, %exp3A_361, %reduce_sum3A_365 [1] : vector<256x1024xf32> to vector<256xf32>
    %broadcast_in_dim3A_367 = vector.shape_cast %reduce_sum3A_366 : vector<256xf32> to vector<256x1xf32>
    %reduce_sum3A_368 = arith.constant dense<0.000000e+00> : vector<256xf32>
    %reduce_sum3A_369 = vector.multi_reduction <add>, %exp3A_364, %reduce_sum3A_368 [1] : vector<256x1024xf32> to vector<256xf32>
    %broadcast_in_dim3A_370 = vector.shape_cast %reduce_sum3A_369 : vector<256xf32> to vector<256x1xf32>
    %add3A_371 = arith.addf %broadcast_in_dim3A_367, %broadcast_in_dim3A_370 : vector<256x1xf32>
    %slice3A_372 = vector.extract_strided_slice %get3A_15 {offsets = [0, 64], sizes = [1024, 64], strides = [1, 1]} : vector<1024x256xf32> to vector<1024x64xf32>
    %dot_general3A_373 = arith.constant dense<0.000000e+00> : vector<256x64xf32>
    %dot_general3A_374 = tpu.matmul %exp3A_361, %slice3A_372, %dot_general3A_373 {dimension_numbers = #tpu.dot_dimension_numbers<[1], [0], [0], [1], [0, 0, 1, 1], [], []>, transpose_lhs_hint = false} : vector<256x1024xf32>, vector<1024x64xf32>, vector<256x64xf32> -> vector<256x64xf32>
    %slice3A_375 = vector.extract_strided_slice %get3A_21 {offsets = [0, 64], sizes = [1024, 64], strides = [1, 1]} : vector<1024x256xf32> to vector<1024x64xf32>
    %dot_general3A_376 = arith.constant dense<0.000000e+00> : vector<256x64xf32>
    %dot_general3A_377 = tpu.matmul %exp3A_364, %slice3A_375, %dot_general3A_376 {dimension_numbers = #tpu.dot_dimension_numbers<[1], [0], [0], [1], [0, 0, 1, 1], [], []>, transpose_lhs_hint = false} : vector<256x1024xf32>, vector<1024x64xf32>, vector<256x64xf32> -> vector<256x64xf32>
    %add3A_378 = arith.addf %dot_general3A_374, %dot_general3A_377 : vector<256x64xf32>
    %div3A_379 = vector.broadcast %add3A_371 : vector<256x1xf32> to vector<256x64xf32>
    %div3A_380 = arith.divf %add3A_378, %div3A_379 : vector<256x64xf32>
    %slice3A_381 = vector.extract_strided_slice %get3A_260 {offsets = [0, 128], sizes = [256, 64], strides = [1, 1]} : vector<256x256xf32> to vector<256x64xf32>
    %get3A_382 = arith.constant 0 : index
    %get3A_383 = arith.constant 0 : index
    %get3A_384 = arith.constant 0 : index
    %get3A_385 = arith.constant 0 : index
    %get3A_386 = vector.load %arg3[%get3A_382, %get3A_383, %get3A_384, %get3A_385] : memref<1x2x1024x256xf32, #tpu.memory_space<vmem>>, vector<1x1x1024x256xf32>
    %get3A_387 = vector.shape_cast %get3A_386 : vector<1x1x1024x256xf32> to vector<1024x256xf32>
    %slice3A_388 = vector.extract_strided_slice %get3A_387 {offsets = [0, 128], sizes = [1024, 64], strides = [1, 1]} : vector<1024x256xf32> to vector<1024x64xf32>
    %dot_general3A_389 = arith.constant dense<0.000000e+00> : vector<256x1024xf32>
    %dot_general3A_390 = tpu.matmul %slice3A_381, %slice3A_388, %dot_general3A_389 {dimension_numbers = #tpu.dot_dimension_numbers<[1], [1], [0], [0], [0, 0, 1, 0], [], []>, transpose_lhs_hint = false} : vector<256x64xf32>, vector<1024x64xf32>, vector<256x1024xf32> -> vector<256x1024xf32>
    %get3A_391 = arith.constant 0 : index
    %get3A_392 = arith.constant 1 : index
    %get3A_393 = arith.constant 0 : index
    %get3A_394 = arith.constant 0 : index
    %get3A_395 = vector.load %arg3[%get3A_391, %get3A_392, %get3A_393, %get3A_394] : memref<1x2x1024x256xf32, #tpu.memory_space<vmem>>, vector<1x1x1024x256xf32>
    %get3A_396 = vector.shape_cast %get3A_395 : vector<1x1x1024x256xf32> to vector<1024x256xf32>
    %slice3A_397 = vector.extract_strided_slice %get3A_396 {offsets = [0, 128], sizes = [1024, 64], strides = [1, 1]} : vector<1024x256xf32> to vector<1024x64xf32>
    %dot_general3A_398 = arith.constant dense<0.000000e+00> : vector<256x1024xf32>
    %dot_general3A_399 = tpu.matmul %slice3A_381, %slice3A_397, %dot_general3A_398 {dimension_numbers = #tpu.dot_dimension_numbers<[1], [1], [0], [0], [0, 0, 1, 0], [], []>, transpose_lhs_hint = false} : vector<256x64xf32>, vector<1024x64xf32>, vector<256x1024xf32> -> vector<256x1024xf32>
    %mul3A_400 = arith.constant 6.250000e-02 : f32
    %mul3A_401 = vector.broadcast %mul3A_400 : f32 to vector<256x1024xf32>
    %mul3A_402 = arith.mulf %dot_general3A_390, %mul3A_401 : vector<256x1024xf32>
    %jit3A_403 = arith.constant -1.000000e+30 : f32
    %broadcast_in_dim3A_404 = vector.broadcast %jit3A_403 : f32 to vector<256x1024xf32>
    %select_n3A_405 = arith.select %ge3A_9, %mul3A_402, %broadcast_in_dim3A_404 : vector<256x1024xi1>, vector<256x1024xf32>
    %mul3A_406 = arith.constant 6.250000e-02 : f32
    %mul3A_407 = vector.broadcast %mul3A_406 : f32 to vector<256x1024xf32>
    %mul3A_408 = arith.mulf %dot_general3A_399, %mul3A_407 : vector<256x1024xf32>
    %jit3A_409 = arith.constant -1.000000e+30 : f32
    %broadcast_in_dim3A_410 = vector.broadcast %jit3A_409 : f32 to vector<256x1024xf32>
    %select_n3A_411 = arith.select %ge3A_9, %mul3A_408, %broadcast_in_dim3A_410 : vector<256x1024xi1>, vector<256x1024xf32>
    %reduce_max3A_412 = arith.constant dense<0xFF800000> : vector<256xf32>
    %reduce_max3A_413 = vector.multi_reduction <maximumf>, %select_n3A_405, %reduce_max3A_412 [1] : vector<256x1024xf32> to vector<256xf32>
    %broadcast_in_dim3A_414 = vector.shape_cast %reduce_max3A_413 : vector<256xf32> to vector<256x1xf32>
    %reduce_max3A_415 = arith.constant dense<0xFF800000> : vector<256xf32>
    %reduce_max3A_416 = vector.multi_reduction <maximumf>, %select_n3A_411, %reduce_max3A_415 [1] : vector<256x1024xf32> to vector<256xf32>
    %broadcast_in_dim3A_417 = vector.shape_cast %reduce_max3A_416 : vector<256xf32> to vector<256x1xf32>
    %max3A_418 = arith.maximumf %broadcast_in_dim3A_414, %broadcast_in_dim3A_417 : vector<256x1xf32>
    %sub3A_419 = vector.broadcast %max3A_418 : vector<256x1xf32> to vector<256x1024xf32>
    %sub3A_420 = arith.subf %select_n3A_405, %sub3A_419 : vector<256x1024xf32>
    %exp3A_421 = math.exp %sub3A_420 : vector<256x1024xf32>
    %sub3A_422 = vector.broadcast %max3A_418 : vector<256x1xf32> to vector<256x1024xf32>
    %sub3A_423 = arith.subf %select_n3A_411, %sub3A_422 : vector<256x1024xf32>
    %exp3A_424 = math.exp %sub3A_423 : vector<256x1024xf32>
    %reduce_sum3A_425 = arith.constant dense<0.000000e+00> : vector<256xf32>
    %reduce_sum3A_426 = vector.multi_reduction <add>, %exp3A_421, %reduce_sum3A_425 [1] : vector<256x1024xf32> to vector<256xf32>
    %broadcast_in_dim3A_427 = vector.shape_cast %reduce_sum3A_426 : vector<256xf32> to vector<256x1xf32>
    %reduce_sum3A_428 = arith.constant dense<0.000000e+00> : vector<256xf32>
    %reduce_sum3A_429 = vector.multi_reduction <add>, %exp3A_424, %reduce_sum3A_428 [1] : vector<256x1024xf32> to vector<256xf32>
    %broadcast_in_dim3A_430 = vector.shape_cast %reduce_sum3A_429 : vector<256xf32> to vector<256x1xf32>
    %add3A_431 = arith.addf %broadcast_in_dim3A_427, %broadcast_in_dim3A_430 : vector<256x1xf32>
    %slice3A_432 = vector.extract_strided_slice %get3A_15 {offsets = [0, 128], sizes = [1024, 64], strides = [1, 1]} : vector<1024x256xf32> to vector<1024x64xf32>
    %dot_general3A_433 = arith.constant dense<0.000000e+00> : vector<256x64xf32>
    %dot_general3A_434 = tpu.matmul %exp3A_421, %slice3A_432, %dot_general3A_433 {dimension_numbers = #tpu.dot_dimension_numbers<[1], [0], [0], [1], [0, 0, 1, 1], [], []>, transpose_lhs_hint = false} : vector<256x1024xf32>, vector<1024x64xf32>, vector<256x64xf32> -> vector<256x64xf32>
    %slice3A_435 = vector.extract_strided_slice %get3A_21 {offsets = [0, 128], sizes = [1024, 64], strides = [1, 1]} : vector<1024x256xf32> to vector<1024x64xf32>
    %dot_general3A_436 = arith.constant dense<0.000000e+00> : vector<256x64xf32>
    %dot_general3A_437 = tpu.matmul %exp3A_424, %slice3A_435, %dot_general3A_436 {dimension_numbers = #tpu.dot_dimension_numbers<[1], [0], [0], [1], [0, 0, 1, 1], [], []>, transpose_lhs_hint = false} : vector<256x1024xf32>, vector<1024x64xf32>, vector<256x64xf32> -> vector<256x64xf32>
    %add3A_438 = arith.addf %dot_general3A_434, %dot_general3A_437 : vector<256x64xf32>
    %div3A_439 = vector.broadcast %add3A_431 : vector<256x1xf32> to vector<256x64xf32>
    %div3A_440 = arith.divf %add3A_438, %div3A_439 : vector<256x64xf32>
    %slice3A_441 = vector.extract_strided_slice %get3A_260 {offsets = [0, 192], sizes = [256, 64], strides = [1, 1]} : vector<256x256xf32> to vector<256x64xf32>
    %get3A_442 = arith.constant 0 : index
    %get3A_443 = arith.constant 0 : index
    %get3A_444 = arith.constant 0 : index
    %get3A_445 = arith.constant 0 : index
    %get3A_446 = vector.load %arg3[%get3A_442, %get3A_443, %get3A_444, %get3A_445] : memref<1x2x1024x256xf32, #tpu.memory_space<vmem>>, vector<1x1x1024x256xf32>
    %get3A_447 = vector.shape_cast %get3A_446 : vector<1x1x1024x256xf32> to vector<1024x256xf32>
    %slice3A_448 = vector.extract_strided_slice %get3A_447 {offsets = [0, 192], sizes = [1024, 64], strides = [1, 1]} : vector<1024x256xf32> to vector<1024x64xf32>
    %dot_general3A_449 = arith.constant dense<0.000000e+00> : vector<256x1024xf32>
    %dot_general3A_450 = tpu.matmul %slice3A_441, %slice3A_448, %dot_general3A_449 {dimension_numbers = #tpu.dot_dimension_numbers<[1], [1], [0], [0], [0, 0, 1, 0], [], []>, transpose_lhs_hint = false} : vector<256x64xf32>, vector<1024x64xf32>, vector<256x1024xf32> -> vector<256x1024xf32>
    %get3A_451 = arith.constant 0 : index
    %get3A_452 = arith.constant 1 : index
    %get3A_453 = arith.constant 0 : index
    %get3A_454 = arith.constant 0 : index
    %get3A_455 = vector.load %arg3[%get3A_451, %get3A_452, %get3A_453, %get3A_454] : memref<1x2x1024x256xf32, #tpu.memory_space<vmem>>, vector<1x1x1024x256xf32>
    %get3A_456 = vector.shape_cast %get3A_455 : vector<1x1x1024x256xf32> to vector<1024x256xf32>
    %slice3A_457 = vector.extract_strided_slice %get3A_456 {offsets = [0, 192], sizes = [1024, 64], strides = [1, 1]} : vector<1024x256xf32> to vector<1024x64xf32>
    %dot_general3A_458 = arith.constant dense<0.000000e+00> : vector<256x1024xf32>
    %dot_general3A_459 = tpu.matmul %slice3A_441, %slice3A_457, %dot_general3A_458 {dimension_numbers = #tpu.dot_dimension_numbers<[1], [1], [0], [0], [0, 0, 1, 0], [], []>, transpose_lhs_hint = false} : vector<256x64xf32>, vector<1024x64xf32>, vector<256x1024xf32> -> vector<256x1024xf32>
    %mul3A_460 = arith.constant 6.250000e-02 : f32
    %mul3A_461 = vector.broadcast %mul3A_460 : f32 to vector<256x1024xf32>
    %mul3A_462 = arith.mulf %dot_general3A_450, %mul3A_461 : vector<256x1024xf32>
    %jit3A_463 = arith.constant -1.000000e+30 : f32
    %broadcast_in_dim3A_464 = vector.broadcast %jit3A_463 : f32 to vector<256x1024xf32>
    %select_n3A_465 = arith.select %ge3A_9, %mul3A_462, %broadcast_in_dim3A_464 : vector<256x1024xi1>, vector<256x1024xf32>
    %mul3A_466 = arith.constant 6.250000e-02 : f32
    %mul3A_467 = vector.broadcast %mul3A_466 : f32 to vector<256x1024xf32>
    %mul3A_468 = arith.mulf %dot_general3A_459, %mul3A_467 : vector<256x1024xf32>
    %jit3A_469 = arith.constant -1.000000e+30 : f32
    %broadcast_in_dim3A_470 = vector.broadcast %jit3A_469 : f32 to vector<256x1024xf32>
    %select_n3A_471 = arith.select %ge3A_9, %mul3A_468, %broadcast_in_dim3A_470 : vector<256x1024xi1>, vector<256x1024xf32>
    %reduce_max3A_472 = arith.constant dense<0xFF800000> : vector<256xf32>
    %reduce_max3A_473 = vector.multi_reduction <maximumf>, %select_n3A_465, %reduce_max3A_472 [1] : vector<256x1024xf32> to vector<256xf32>
    %broadcast_in_dim3A_474 = vector.shape_cast %reduce_max3A_473 : vector<256xf32> to vector<256x1xf32>
    %reduce_max3A_475 = arith.constant dense<0xFF800000> : vector<256xf32>
    %reduce_max3A_476 = vector.multi_reduction <maximumf>, %select_n3A_471, %reduce_max3A_475 [1] : vector<256x1024xf32> to vector<256xf32>
    %broadcast_in_dim3A_477 = vector.shape_cast %reduce_max3A_476 : vector<256xf32> to vector<256x1xf32>
    %max3A_478 = arith.maximumf %broadcast_in_dim3A_474, %broadcast_in_dim3A_477 : vector<256x1xf32>
    %sub3A_479 = vector.broadcast %max3A_478 : vector<256x1xf32> to vector<256x1024xf32>
    %sub3A_480 = arith.subf %select_n3A_465, %sub3A_479 : vector<256x1024xf32>
    %exp3A_481 = math.exp %sub3A_480 : vector<256x1024xf32>
    %sub3A_482 = vector.broadcast %max3A_478 : vector<256x1xf32> to vector<256x1024xf32>
    %sub3A_483 = arith.subf %select_n3A_471, %sub3A_482 : vector<256x1024xf32>
    %exp3A_484 = math.exp %sub3A_483 : vector<256x1024xf32>
    %reduce_sum3A_485 = arith.constant dense<0.000000e+00> : vector<256xf32>
    %reduce_sum3A_486 = vector.multi_reduction <add>, %exp3A_481, %reduce_sum3A_485 [1] : vector<256x1024xf32> to vector<256xf32>
    %broadcast_in_dim3A_487 = vector.shape_cast %reduce_sum3A_486 : vector<256xf32> to vector<256x1xf32>
    %reduce_sum3A_488 = arith.constant dense<0.000000e+00> : vector<256xf32>
    %reduce_sum3A_489 = vector.multi_reduction <add>, %exp3A_484, %reduce_sum3A_488 [1] : vector<256x1024xf32> to vector<256xf32>
    %broadcast_in_dim3A_490 = vector.shape_cast %reduce_sum3A_489 : vector<256xf32> to vector<256x1xf32>
    %add3A_491 = arith.addf %broadcast_in_dim3A_487, %broadcast_in_dim3A_490 : vector<256x1xf32>
    %slice3A_492 = vector.extract_strided_slice %get3A_15 {offsets = [0, 192], sizes = [1024, 64], strides = [1, 1]} : vector<1024x256xf32> to vector<1024x64xf32>
    %dot_general3A_493 = arith.constant dense<0.000000e+00> : vector<256x64xf32>
    %dot_general3A_494 = tpu.matmul %exp3A_481, %slice3A_492, %dot_general3A_493 {dimension_numbers = #tpu.dot_dimension_numbers<[1], [0], [0], [1], [0, 0, 1, 1], [], []>, transpose_lhs_hint = false} : vector<256x1024xf32>, vector<1024x64xf32>, vector<256x64xf32> -> vector<256x64xf32>
    %slice3A_495 = vector.extract_strided_slice %get3A_21 {offsets = [0, 192], sizes = [1024, 64], strides = [1, 1]} : vector<1024x256xf32> to vector<1024x64xf32>
    %dot_general3A_496 = arith.constant dense<0.000000e+00> : vector<256x64xf32>
    %dot_general3A_497 = tpu.matmul %exp3A_484, %slice3A_495, %dot_general3A_496 {dimension_numbers = #tpu.dot_dimension_numbers<[1], [0], [0], [1], [0, 0, 1, 1], [], []>, transpose_lhs_hint = false} : vector<256x1024xf32>, vector<1024x64xf32>, vector<256x64xf32> -> vector<256x64xf32>
    %add3A_498 = arith.addf %dot_general3A_494, %dot_general3A_497 : vector<256x64xf32>
    %div3A_499 = vector.broadcast %add3A_491 : vector<256x1xf32> to vector<256x64xf32>
    %div3A_500 = arith.divf %add3A_498, %div3A_499 : vector<256x64xf32>
    %concatenate3A_501 = tpu.concatenate %div3A_320, %div3A_380, %div3A_440, %div3A_500 in 1 : vector<256x64xf32>, vector<256x64xf32>, vector<256x64xf32>, vector<256x64xf32> -> vector<256x256xf32>
    %mul3A_502 = arith.constant 256 : i32
    %mul3A_503 = arith.muli %arg1, %mul3A_502 : i32
    %get3A_504 = arith.constant 0 : index
    %get3A_505 = arith.constant 0 : index
    %get3A_506 = arith.index_cast %mul3A_503 : i32 to index
    %get3A_507 = arith.constant 0 : index
    %get3A_508 = vector.load %arg4[%get3A_504, %get3A_505, %get3A_506, %get3A_507] : memref<1x2x1024x256xf32, #tpu.memory_space<vmem>>, vector<1x1x256x256xf32>
    %get3A_509 = vector.shape_cast %get3A_508 : vector<1x1x256x256xf32> to vector<256x256xf32>
    %get3A_510 = arith.constant 0 : index
    %get3A_511 = arith.constant 1 : index
    %get3A_512 = arith.index_cast %mul3A_503 : i32 to index
    %get3A_513 = arith.constant 0 : index
    %get3A_514 = vector.load %arg4[%get3A_510, %get3A_511, %get3A_512, %get3A_513] : memref<1x2x1024x256xf32, #tpu.memory_space<vmem>>, vector<1x1x256x256xf32>
    %get3A_515 = vector.shape_cast %get3A_514 : vector<1x1x256x256xf32> to vector<256x256xf32>
    %sub3A_516 = arith.constant 1 : i32
    %sub3A_517 = arith.subi %mul3A_503, %sub3A_516 : i32
    %max3A_518 = arith.constant 0 : i32
    %max3A_519 = arith.maxsi %sub3A_517, %max3A_518 : i32
    %get3A_520 = arith.constant 0 : index
    %get3A_521 = arith.constant 1 : index
    %get3A_522 = arith.index_cast %max3A_519 : i32 to index
    %get3A_523 = arith.constant 0 : index
    %get3A_524 = vector.load %arg4[%get3A_520, %get3A_521, %get3A_522, %get3A_523] : memref<1x2x1024x256xf32, #tpu.memory_space<vmem>>, vector<1x1x1x256xf32>
    %get3A_525 = vector.shape_cast %get3A_524 : vector<1x1x1x256xf32> to vector<1x256xf32>
    %gt3A = arith.constant 0 : i32
    %gt3A_526 = arith.cmpi sgt, %arg1, %gt3A : i32
    %jit3A_527 = arith.constant 0.000000e+00 : f32
    %broadcast_in_dim3A_528 = vector.broadcast %jit3A_527 : f32 to vector<1x256xf32>
    %select_n3A_529 = arith.select %gt3A_526, %get3A_525, %broadcast_in_dim3A_528 : vector<1x256xf32>
    %add3A_530 = arith.constant 256 : i32
    %add3A_531 = arith.addi %mul3A_503, %add3A_530 : i32
    %min3A = arith.constant 1023 : i32
    %min3A_532 = arith.minsi %add3A_531, %min3A : i32
    %get3A_533 = arith.constant 0 : index
    %get3A_534 = arith.constant 0 : index
    %get3A_535 = arith.index_cast %min3A_532 : i32 to index
    %get3A_536 = arith.constant 0 : index
    %get3A_537 = vector.load %arg4[%get3A_533, %get3A_534, %get3A_535, %get3A_536] : memref<1x2x1024x256xf32, #tpu.memory_space<vmem>>, vector<1x1x1x256xf32>
    %get3A_538 = vector.shape_cast %get3A_537 : vector<1x1x1x256xf32> to vector<1x256xf32>
    %lt3A = arith.constant 3 : i32
    %lt3A_539 = arith.cmpi slt, %arg1, %lt3A : i32
    %jit3A_540 = arith.constant 0.000000e+00 : f32
    %broadcast_in_dim3A_541 = vector.broadcast %jit3A_540 : f32 to vector<1x256xf32>
    %select_n3A_542 = arith.select %lt3A_539, %get3A_538, %broadcast_in_dim3A_541 : vector<1x256xf32>
    %slice3A_543 = vector.extract_strided_slice %get3A_515 {offsets = [0, 0], sizes = [255, 256], strides = [1, 1]} : vector<256x256xf32> to vector<255x256xf32>
    %concatenate3A_544 = tpu.concatenate %select_n3A_529, %slice3A_543 in 0 : vector<1x256xf32>, vector<255x256xf32> -> vector<256x256xf32>
    %slice3A_545 = vector.extract_strided_slice %get3A_509 {offsets = [1, 0], sizes = [255, 256], strides = [1, 1]} : vector<256x256xf32> to vector<255x256xf32>
    %concatenate3A_546 = tpu.concatenate %slice3A_545, %select_n3A_542 in 0 : vector<255x256xf32>, vector<1x256xf32> -> vector<256x256xf32>
    %get3A_547 = arith.constant 0 : index
    %get3A_548 = arith.constant 0 : index
    %get3A_549 = vector.load %arg10[%get3A_547, %get3A_548] : memref<3x256xf32, #tpu.memory_space<vmem>>, vector<1x256xf32>
    %get3A_550 = arith.constant 1 : index
    %get3A_551 = arith.constant 0 : index
    %get3A_552 = vector.load %arg10[%get3A_550, %get3A_551] : memref<3x256xf32, #tpu.memory_space<vmem>>, vector<1x256xf32>
    %get3A_553 = arith.constant 2 : index
    %get3A_554 = arith.constant 0 : index
    %get3A_555 = vector.load %arg10[%get3A_553, %get3A_554] : memref<3x256xf32, #tpu.memory_space<vmem>>, vector<1x256xf32>
    %get3A_556 = arith.constant 0 : index
    %get3A_557 = arith.constant 0 : index
    %get3A_558 = vector.load %arg11[%get3A_556, %get3A_557] : memref<1x256xf32, #tpu.memory_space<vmem>>, vector<1x256xf32>
    %mul3A_559 = vector.broadcast %get3A_549 : vector<1x256xf32> to vector<256x256xf32>
    %mul3A_560 = arith.mulf %mul3A_559, %concatenate3A_544 : vector<256x256xf32>
    %mul3A_561 = vector.broadcast %get3A_552 : vector<1x256xf32> to vector<256x256xf32>
    %mul3A_562 = arith.mulf %mul3A_561, %get3A_509 : vector<256x256xf32>
    %add3A_563 = arith.addf %mul3A_560, %mul3A_562 : vector<256x256xf32>
    %mul3A_564 = vector.broadcast %get3A_555 : vector<1x256xf32> to vector<256x256xf32>
    %mul3A_565 = arith.mulf %mul3A_564, %get3A_515 : vector<256x256xf32>
    %add3A_566 = arith.addf %add3A_563, %mul3A_565 : vector<256x256xf32>
    %add3A_567 = vector.broadcast %get3A_558 : vector<1x256xf32> to vector<256x256xf32>
    %add3A_568 = arith.addf %add3A_566, %add3A_567 : vector<256x256xf32>
    %mul3A_569 = vector.broadcast %get3A_549 : vector<1x256xf32> to vector<256x256xf32>
    %mul3A_570 = arith.mulf %mul3A_569, %get3A_509 : vector<256x256xf32>
    %mul3A_571 = vector.broadcast %get3A_552 : vector<1x256xf32> to vector<256x256xf32>
    %mul3A_572 = arith.mulf %mul3A_571, %get3A_515 : vector<256x256xf32>
    %add3A_573 = arith.addf %mul3A_570, %mul3A_572 : vector<256x256xf32>
    %mul3A_574 = vector.broadcast %get3A_555 : vector<1x256xf32> to vector<256x256xf32>
    %mul3A_575 = arith.mulf %mul3A_574, %concatenate3A_546 : vector<256x256xf32>
    %add3A_576 = arith.addf %add3A_573, %mul3A_575 : vector<256x256xf32>
    %add3A_577 = vector.broadcast %get3A_558 : vector<1x256xf32> to vector<256x256xf32>
    %add3A_578 = arith.addf %add3A_576, %add3A_577 : vector<256x256xf32>
    %get3A_579 = arith.constant 0 : index
    %get3A_580 = arith.constant 0 : index
    %get3A_581 = vector.load %arg8[%get3A_579, %get3A_580] : memref<256x256xf32, #tpu.memory_space<vmem>>, vector<256x256xf32>
    %get3A_582 = arith.constant 0 : index
    %get3A_583 = arith.constant 0 : index
    %get3A_584 = vector.load %arg9[%get3A_582, %get3A_583] : memref<1x256xf32, #tpu.memory_space<vmem>>, vector<1x256xf32>
    %get3A_585 = arith.constant 0 : index
    %get3A_586 = arith.constant 0 : index
    %get3A_587 = arith.constant 0 : index
    %get3A_588 = arith.constant 0 : index
    %get3A_589 = vector.load %arg7[%get3A_585, %get3A_586, %get3A_587, %get3A_588] : memref<1x2x256x256xf32, #tpu.memory_space<vmem>>, vector<1x1x256x256xf32>
    %get3A_590 = vector.shape_cast %get3A_589 : vector<1x1x256x256xf32> to vector<256x256xf32>
    %add3A_591 = arith.addf %concatenate3A, %add3A_568 : vector<256x256xf32>
    %dot_general3A_592 = arith.constant dense<0.000000e+00> : vector<256x256xf32>
    %dot_general3A_593 = tpu.matmul %add3A_591, %get3A_581, %dot_general3A_592 {dimension_numbers = #tpu.dot_dimension_numbers<[1], [0], [0], [1], [0, 0, 1, 1], [], []>, transpose_lhs_hint = false} : vector<256x256xf32>, vector<256x256xf32>, vector<256x256xf32> -> vector<256x256xf32>
    %add3A_594 = arith.addf %get3A_590, %dot_general3A_593 : vector<256x256xf32>
    %add3A_595 = vector.broadcast %get3A_584 : vector<1x256xf32> to vector<256x256xf32>
    %add3A_596 = arith.addf %add3A_594, %add3A_595 : vector<256x256xf32>
    %swap3A = arith.constant 0 : index
    %swap3A_597 = arith.constant 0 : index
    %swap3A_598 = arith.constant 0 : index
    %swap3A_599 = arith.constant 0 : index
    %swap3A_600 = vector.load %arg12[%swap3A, %swap3A_597, %swap3A_598, %swap3A_599] : memref<1x2x256x256xf32, #tpu.memory_space<vmem>>, vector<1x1x256x256xf32>
    %swap3A_601 = vector.shape_cast %swap3A_600 : vector<1x1x256x256xf32> to vector<256x256xf32>
    %swap3A_602 = vector.shape_cast %add3A_596 : vector<256x256xf32> to vector<1x1x256x256xf32>
    tpu.vector_store %arg12[%swap3A, %swap3A_597, %swap3A_598, %swap3A_599], %swap3A_602 {strides = array<i32>} : memref<1x2x256x256xf32, #tpu.memory_space<vmem>>, vector<1x1x256x256xf32>,
    %get3A_603 = arith.constant 0 : index
    %get3A_604 = arith.constant 1 : index
    %get3A_605 = arith.constant 0 : index
    %get3A_606 = arith.constant 0 : index
    %get3A_607 = vector.load %arg7[%get3A_603, %get3A_604, %get3A_605, %get3A_606] : memref<1x2x256x256xf32, #tpu.memory_space<vmem>>, vector<1x1x256x256xf32>
    %get3A_608 = vector.shape_cast %get3A_607 : vector<1x1x256x256xf32> to vector<256x256xf32>
    %add3A_609 = arith.addf %concatenate3A_501, %add3A_578 : vector<256x256xf32>
    %dot_general3A_610 = arith.constant dense<0.000000e+00> : vector<256x256xf32>
    %dot_general3A_611 = tpu.matmul %add3A_609, %get3A_581, %dot_general3A_610 {dimension_numbers = #tpu.dot_dimension_numbers<[1], [0], [0], [1], [0, 0, 1, 1], [], []>, transpose_lhs_hint = false} : vector<256x256xf32>, vector<256x256xf32>, vector<256x256xf32> -> vector<256x256xf32>
    %add3A_612 = arith.addf %get3A_608, %dot_general3A_611 : vector<256x256xf32>
    %add3A_613 = vector.broadcast %get3A_584 : vector<1x256xf32> to vector<256x256xf32>
    %add3A_614 = arith.addf %add3A_612, %add3A_613 : vector<256x256xf32>
    %swap3A_615 = arith.constant 0 : index
    %swap3A_616 = arith.constant 1 : index
    %swap3A_617 = arith.constant 0 : index
    %swap3A_618 = arith.constant 0 : index
    %swap3A_619 = vector.load %arg12[%swap3A_615, %swap3A_616, %swap3A_617, %swap3A_618] : memref<1x2x256x256xf32, #tpu.memory_space<vmem>>, vector<1x1x256x256xf32>
    %swap3A_620 = vector.shape_cast %swap3A_619 : vector<1x1x256x256xf32> to vector<256x256xf32>
    %swap3A_621 = vector.shape_cast %add3A_614 : vector<256x256xf32> to vector<1x1x256x256xf32>
    tpu.vector_store %arg12[%swap3A_615, %swap3A_616, %swap3A_617, %swap3A_618], %swap3A_621 {strides = array<i32>} : memref<1x2x256x256xf32, #tpu.memory_space<vmem>>, vector<1x1x256x256xf32>,
    return
  }
  func.func @transform_0(%arg0: i32, %arg1: i32) -> (i32, i32, i32, i32) {
    %c0_i32 = arith.constant 0 : i32
    %c0_i32_0 = arith.constant 0 : i32
    %c0_i32_1 = arith.constant 0 : i32
    return %arg0, %c0_i32, %arg1, %c0_i32_0 : i32, i32, i32, i32
  }
  func.func @transform_1(%arg0: i32, %arg1: i32) -> (i32, i32, i32, i32) {
    %c0_i32 = arith.constant 0 : i32
    %c0_i32_0 = arith.constant 0 : i32
    %c0_i32_1 = arith.constant 0 : i32
    %c0_i32_2 = arith.constant 0 : i32
    return %arg0, %c0_i32, %c0_i32_0, %c0_i32_1 : i32, i32, i32, i32
  }
  func.func @transform_2(%arg0: i32, %arg1: i32) -> (i32, i32, i32, i32) {
    %c0_i32 = arith.constant 0 : i32
    %c0_i32_0 = arith.constant 0 : i32
    %c0_i32_1 = arith.constant 0 : i32
    %c0_i32_2 = arith.constant 0 : i32
    return %arg0, %c0_i32, %c0_i32_0, %c0_i32_1 : i32, i32, i32, i32
  }
  func.func @transform_3(%arg0: i32, %arg1: i32) -> (i32, i32, i32) {
    %c0_i32 = arith.constant 0 : i32
    %c0_i32_0 = arith.constant 0 : i32
    return %arg0, %arg1, %c0_i32 : i32, i32, i32
  }
  func.func @transform_4(%arg0: i32, %arg1: i32) -> (i32, i32, i32) {
    %c0_i32 = arith.constant 0 : i32
    %c0_i32_0 = arith.constant 0 : i32
    return %arg0, %arg1, %c0_i32 : i32, i32, i32
  }
  func.func @transform_5(%arg0: i32, %arg1: i32) -> (i32, i32, i32, i32) {
    %c0_i32 = arith.constant 0 : i32
    %c0_i32_0 = arith.constant 0 : i32
    %c0_i32_1 = arith.constant 0 : i32
    return %arg0, %c0_i32, %arg1, %c0_i32_0 : i32, i32, i32, i32
  }
  func.func @transform_6(%arg0: i32, %arg1: i32) -> (i32, i32) {
    %c0_i32 = arith.constant 0 : i32
    %c0_i32_0 = arith.constant 0 : i32
    %c0_i32_1 = arith.constant 0 : i32
    return %c0_i32, %c0_i32_0 : i32, i32
  }
  func.func @transform_7(%arg0: i32, %arg1: i32) -> (i32, i32) {
    %c0_i32 = arith.constant 0 : i32
    %c0_i32_0 = arith.constant 0 : i32
    %c0_i32_1 = arith.constant 0 : i32
    return %c0_i32, %c0_i32_0 : i32, i32
  }
  func.func @transform_8(%arg0: i32, %arg1: i32) -> (i32, i32) {
    %c0_i32 = arith.constant 0 : i32
    %c0_i32_0 = arith.constant 0 : i32
    %c0_i32_1 = arith.constant 0 : i32
    return %c0_i32, %c0_i32_0 : i32, i32
  }
  func.func @transform_9(%arg0: i32, %arg1: i32) -> (i32, i32) {
    %c0_i32 = arith.constant 0 : i32
    %c0_i32_0 = arith.constant 0 : i32
    %c0_i32_1 = arith.constant 0 : i32
    return %c0_i32, %c0_i32_0 : i32, i32
  }
  func.func @transform_10(%arg0: i32, %arg1: i32) -> (i32, i32, i32, i32) {
    %c0_i32 = arith.constant 0 : i32
    %c0_i32_0 = arith.constant 0 : i32
    %c0_i32_1 = arith.constant 0 : i32
    return %arg0, %c0_i32, %arg1, %c0_i32_0 : i32, i32, i32, i32
  }
}

module attributes {stable_mosaic.version = 14 : i64} {
  func.func @_ffn_kernel(%arg0: i32, %arg1: memref<1x2x1024x256xf32, #tpu.memory_space<vmem>>, %arg2: memref<256x512xf32, #tpu.memory_space<vmem>>, %arg3: memref<1x512xf32, #tpu.memory_space<vmem>>, %arg4: memref<512x256xf32, #tpu.memory_space<vmem>>, %arg5: memref<1x256xf32, #tpu.memory_space<vmem>>, %arg6: memref<1x512xf32, #tpu.memory_space<vmem>>, %arg7: memref<1x512xf32, #tpu.memory_space<vmem>>, %arg8: memref<1x512xf32, #tpu.memory_space<vmem>>, %arg9: memref<1x512xf32, #tpu.memory_space<vmem>>, %arg10: memref<1024x1024xf32, #tpu.memory_space<vmem>>, %arg11: memref<1024x1024xf32, #tpu.memory_space<vmem>>, %arg12: memref<1024x2xf32, #tpu.memory_space<vmem>>, %arg13: memref<1x2x1024x256xf32, #tpu.memory_space<vmem>>) attributes {dimension_semantics = [#tpu.dimension_semantics<arbitrary>], iteration_bounds = array<i64: 16>, scalar_prefetch = 0 : i64, scratch_operands = 0 : i64, tpu.core_type = #tpu.core_type<tc>, window_params = [{transform_indices = @transform_0, window_bounds = array<i64: 1, 2, 1024, 256>}, {pipeline_mode = #tpu.pipeline_mode<synchronous>, transform_indices = @transform_1, window_bounds = array<i64: 256, 512>}, {pipeline_mode = #tpu.pipeline_mode<synchronous>, transform_indices = @transform_2, window_bounds = array<i64: 1, 512>}, {pipeline_mode = #tpu.pipeline_mode<synchronous>, transform_indices = @transform_3, window_bounds = array<i64: 512, 256>}, {pipeline_mode = #tpu.pipeline_mode<synchronous>, transform_indices = @transform_4, window_bounds = array<i64: 1, 256>}, {pipeline_mode = #tpu.pipeline_mode<synchronous>, transform_indices = @transform_5, window_bounds = array<i64: 1, 512>}, {pipeline_mode = #tpu.pipeline_mode<synchronous>, transform_indices = @transform_6, window_bounds = array<i64: 1, 512>}, {pipeline_mode = #tpu.pipeline_mode<synchronous>, transform_indices = @transform_7, window_bounds = array<i64: 1, 512>}, {pipeline_mode = #tpu.pipeline_mode<synchronous>, transform_indices = @transform_8, window_bounds = array<i64: 1, 512>}, {pipeline_mode = #tpu.pipeline_mode<synchronous>, transform_indices = @transform_9, window_bounds = array<i64: 1024, 1024>}, {pipeline_mode = #tpu.pipeline_mode<synchronous>, transform_indices = @transform_10, window_bounds = array<i64: 1024, 1024>}, {pipeline_mode = #tpu.pipeline_mode<synchronous>, transform_indices = @transform_11, window_bounds = array<i64: 1024, 2>}, {transform_indices = @transform_12, window_bounds = array<i64: 1, 2, 1024, 256>}]} {
    %get3A = arith.constant 0 : index
    %get3A_0 = arith.constant 0 : index
    %get3A_1 = arith.constant 0 : index
    %get3A_2 = arith.constant 0 : index
    %get3A_3 = vector.load %arg1[%get3A, %get3A_0, %get3A_1, %get3A_2] : memref<1x2x1024x256xf32, #tpu.memory_space<vmem>>, vector<1x1x1024x256xf32>
    %get3A_4 = vector.shape_cast %get3A_3 : vector<1x1x1024x256xf32> to vector<1024x256xf32>
    %get3A_5 = arith.constant 0 : index
    %get3A_6 = arith.constant 0 : index
    %get3A_7 = vector.load %arg2[%get3A_5, %get3A_6] : memref<256x512xf32, #tpu.memory_space<vmem>>, vector<256x512xf32>
    %dot_general3A = arith.constant dense<0.000000e+00> : vector<1024x512xf32>
    %dot_general3A_8 = tpu.matmul %get3A_4, %get3A_7, %dot_general3A {dimension_numbers = #tpu.dot_dimension_numbers<[1], [0], [0], [1], [0, 0, 1, 1], [], []>, transpose_lhs_hint = false} : vector<1024x256xf32>, vector<256x512xf32>, vector<1024x512xf32> -> vector<1024x512xf32>
    %get3A_9 = arith.constant 0 : index
    %get3A_10 = arith.constant 0 : index
    %get3A_11 = vector.load %arg3[%get3A_9, %get3A_10] : memref<1x512xf32, #tpu.memory_space<vmem>>, vector<1x512xf32>
    %add3A = vector.broadcast %get3A_11 : vector<1x512xf32> to vector<1024x512xf32>
    %add3A_12 = arith.addf %dot_general3A_8, %add3A : vector<1024x512xf32>
    %max3A = arith.constant 0.000000e+00 : f32
    %max3A_13 = vector.broadcast %max3A : f32 to vector<1024x512xf32>
    %max3A_14 = arith.maximumf %add3A_12, %max3A_13 : vector<1024x512xf32>
    %get3A_15 = arith.constant 0 : index
    %get3A_16 = arith.constant 1 : index
    %get3A_17 = arith.constant 0 : index
    %get3A_18 = arith.constant 0 : index
    %get3A_19 = vector.load %arg1[%get3A_15, %get3A_16, %get3A_17, %get3A_18] : memref<1x2x1024x256xf32, #tpu.memory_space<vmem>>, vector<1x1x1024x256xf32>
    %get3A_20 = vector.shape_cast %get3A_19 : vector<1x1x1024x256xf32> to vector<1024x256xf32>
    %get3A_21 = arith.constant 0 : index
    %get3A_22 = arith.constant 0 : index
    %get3A_23 = vector.load %arg2[%get3A_21, %get3A_22] : memref<256x512xf32, #tpu.memory_space<vmem>>, vector<256x512xf32>
    %dot_general3A_24 = arith.constant dense<0.000000e+00> : vector<1024x512xf32>
    %dot_general3A_25 = tpu.matmul %get3A_20, %get3A_23, %dot_general3A_24 {dimension_numbers = #tpu.dot_dimension_numbers<[1], [0], [0], [1], [0, 0, 1, 1], [], []>, transpose_lhs_hint = false} : vector<1024x256xf32>, vector<256x512xf32>, vector<1024x512xf32> -> vector<1024x512xf32>
    %get3A_26 = arith.constant 0 : index
    %get3A_27 = arith.constant 0 : index
    %get3A_28 = vector.load %arg3[%get3A_26, %get3A_27] : memref<1x512xf32, #tpu.memory_space<vmem>>, vector<1x512xf32>
    %add3A_29 = vector.broadcast %get3A_28 : vector<1x512xf32> to vector<1024x512xf32>
    %add3A_30 = arith.addf %dot_general3A_25, %add3A_29 : vector<1024x512xf32>
    %max3A_31 = arith.constant 0.000000e+00 : f32
    %max3A_32 = vector.broadcast %max3A_31 : f32 to vector<1024x512xf32>
    %max3A_33 = arith.maximumf %add3A_30, %max3A_32 : vector<1024x512xf32>
    %get3A_34 = arith.constant 0 : index
    %get3A_35 = arith.constant 0 : index
    %get3A_36 = vector.load %arg10[%get3A_34, %get3A_35] : memref<1024x1024xf32, #tpu.memory_space<vmem>>, vector<1024x1024xf32>
    %get3A_37 = arith.constant 0 : index
    %get3A_38 = arith.constant 0 : index
    %get3A_39 = vector.load %arg11[%get3A_37, %get3A_38] : memref<1024x1024xf32, #tpu.memory_space<vmem>>, vector<1024x1024xf32>
    %dot_general3A_40 = arith.constant dense<0.000000e+00> : vector<1024x512xf32>
    %dot_general3A_41 = tpu.matmul %get3A_36, %max3A_14, %dot_general3A_40 {dimension_numbers = #tpu.dot_dimension_numbers<[1], [0], [0], [1], [0, 0, 1, 1], [], []>, transpose_lhs_hint = false} : vector<1024x1024xf32>, vector<1024x512xf32>, vector<1024x512xf32> -> vector<1024x512xf32>
    %dot_general3A_42 = arith.constant dense<0.000000e+00> : vector<1024x512xf32>
    %dot_general3A_43 = tpu.matmul %get3A_39, %max3A_14, %dot_general3A_42 {dimension_numbers = #tpu.dot_dimension_numbers<[1], [0], [0], [1], [0, 0, 1, 1], [], []>, transpose_lhs_hint = false} : vector<1024x1024xf32>, vector<1024x512xf32>, vector<1024x512xf32> -> vector<1024x512xf32>
    %neg3A = arith.constant 0.000000e+00 : f32
    %neg3A_44 = vector.broadcast %neg3A : f32 to vector<1024x512xf32>
    %neg3A_45 = arith.subf %neg3A_44, %dot_general3A_43 : vector<1024x512xf32>
    %dot_general3A_46 = arith.constant dense<0.000000e+00> : vector<1024x512xf32>
    %dot_general3A_47 = tpu.matmul %get3A_36, %max3A_33, %dot_general3A_46 {dimension_numbers = #tpu.dot_dimension_numbers<[1], [0], [0], [1], [0, 0, 1, 1], [], []>, transpose_lhs_hint = false} : vector<1024x1024xf32>, vector<1024x512xf32>, vector<1024x512xf32> -> vector<1024x512xf32>
    %dot_general3A_48 = arith.constant dense<0.000000e+00> : vector<1024x512xf32>
    %dot_general3A_49 = tpu.matmul %get3A_39, %max3A_33, %dot_general3A_48 {dimension_numbers = #tpu.dot_dimension_numbers<[1], [0], [0], [1], [0, 0, 1, 1], [], []>, transpose_lhs_hint = false} : vector<1024x1024xf32>, vector<1024x512xf32>, vector<1024x512xf32> -> vector<1024x512xf32>
    %neg3A_50 = arith.constant 0.000000e+00 : f32
    %neg3A_51 = vector.broadcast %neg3A_50 : f32 to vector<1024x512xf32>
    %neg3A_52 = arith.subf %neg3A_51, %dot_general3A_49 : vector<1024x512xf32>
    %get3A_53 = arith.constant 0 : index
    %get3A_54 = arith.constant 0 : index
    %get3A_55 = vector.load %arg12[%get3A_53, %get3A_54] : memref<1024x2xf32, #tpu.memory_space<vmem>>, vector<1024x1xf32>
    %get3A_56 = arith.constant 0 : index
    %get3A_57 = arith.constant 1 : index
    %get3A_58 = vector.load %arg12[%get3A_56, %get3A_57] : memref<1024x2xf32, #tpu.memory_space<vmem>>, vector<1024x1xf32>
    %mul3A = vector.broadcast %get3A_55 : vector<1024x1xf32> to vector<1024x512xf32>
    %mul3A_59 = arith.mulf %mul3A, %dot_general3A_47 : vector<1024x512xf32>
    %mul3A_60 = vector.broadcast %get3A_58 : vector<1024x1xf32> to vector<1024x512xf32>
    %mul3A_61 = arith.mulf %mul3A_60, %neg3A_52 : vector<1024x512xf32>
    %add3A_62 = arith.addf %mul3A_59, %mul3A_61 : vector<1024x512xf32>
    %mul3A_63 = vector.broadcast %get3A_55 : vector<1024x1xf32> to vector<1024x512xf32>
    %mul3A_64 = arith.mulf %mul3A_63, %neg3A_52 : vector<1024x512xf32>
    %mul3A_65 = vector.broadcast %get3A_58 : vector<1024x1xf32> to vector<1024x512xf32>
    %mul3A_66 = arith.mulf %mul3A_65, %dot_general3A_47 : vector<1024x512xf32>
    %sub3A = arith.subf %mul3A_64, %mul3A_66 : vector<1024x512xf32>
    %add3A_67 = arith.addf %dot_general3A_41, %add3A_62 : vector<1024x512xf32>
    %mul3A_68 = arith.constant 0.0220970865 : f32
    %mul3A_69 = vector.broadcast %mul3A_68 : f32 to vector<1024x512xf32>
    %mul3A_70 = arith.mulf %add3A_67, %mul3A_69 : vector<1024x512xf32>
    %add3A_71 = arith.addf %neg3A_45, %sub3A : vector<1024x512xf32>
    %mul3A_72 = arith.constant 0.0220970865 : f32
    %mul3A_73 = vector.broadcast %mul3A_72 : f32 to vector<1024x512xf32>
    %mul3A_74 = arith.mulf %add3A_71, %mul3A_73 : vector<1024x512xf32>
    %sub3A_75 = arith.subf %dot_general3A_41, %add3A_62 : vector<1024x512xf32>
    %mul3A_76 = arith.constant 0.0220970865 : f32
    %mul3A_77 = vector.broadcast %mul3A_76 : f32 to vector<1024x512xf32>
    %mul3A_78 = arith.mulf %sub3A_75, %mul3A_77 : vector<1024x512xf32>
    %sub3A_79 = arith.subf %neg3A_45, %sub3A : vector<1024x512xf32>
    %mul3A_80 = arith.constant 0.0220970865 : f32
    %mul3A_81 = vector.broadcast %mul3A_80 : f32 to vector<1024x512xf32>
    %mul3A_82 = arith.mulf %sub3A_79, %mul3A_81 : vector<1024x512xf32>
    %get3A_83 = arith.constant 0 : index
    %get3A_84 = arith.constant 0 : index
    %get3A_85 = vector.load %arg6[%get3A_83, %get3A_84] : memref<1x512xf32, #tpu.memory_space<vmem>>, vector<1x512xf32>
    %get3A_86 = arith.constant 0 : index
    %get3A_87 = arith.constant 0 : index
    %get3A_88 = vector.load %arg7[%get3A_86, %get3A_87] : memref<1x512xf32, #tpu.memory_space<vmem>>, vector<1x512xf32>
    %get3A_89 = arith.constant 0 : index
    %get3A_90 = arith.constant 0 : index
    %get3A_91 = vector.load %arg8[%get3A_89, %get3A_90] : memref<1x512xf32, #tpu.memory_space<vmem>>, vector<1x512xf32>
    %get3A_92 = arith.constant 0 : index
    %get3A_93 = arith.constant 0 : index
    %get3A_94 = vector.load %arg9[%get3A_92, %get3A_93] : memref<1x512xf32, #tpu.memory_space<vmem>>, vector<1x512xf32>
    %mul3A_95 = vector.broadcast %get3A_85 : vector<1x512xf32> to vector<1024x512xf32>
    %mul3A_96 = arith.mulf %mul3A_70, %mul3A_95 : vector<1024x512xf32>
    %mul3A_97 = vector.broadcast %get3A_88 : vector<1x512xf32> to vector<1024x512xf32>
    %mul3A_98 = arith.mulf %mul3A_74, %mul3A_97 : vector<1024x512xf32>
    %sub3A_99 = arith.subf %mul3A_96, %mul3A_98 : vector<1024x512xf32>
    %add3A_100 = vector.broadcast %get3A_91 : vector<1x512xf32> to vector<1024x512xf32>
    %add3A_101 = arith.addf %sub3A_99, %add3A_100 : vector<1024x512xf32>
    %max3A_102 = arith.constant 0.000000e+00 : f32
    %max3A_103 = vector.broadcast %max3A_102 : f32 to vector<1024x512xf32>
    %max3A_104 = arith.maximumf %add3A_101, %max3A_103 : vector<1024x512xf32>
    %mul3A_105 = vector.broadcast %get3A_85 : vector<1x512xf32> to vector<1024x512xf32>
    %mul3A_106 = arith.mulf %mul3A_74, %mul3A_105 : vector<1024x512xf32>
    %mul3A_107 = vector.broadcast %get3A_88 : vector<1x512xf32> to vector<1024x512xf32>
    %mul3A_108 = arith.mulf %mul3A_70, %mul3A_107 : vector<1024x512xf32>
    %add3A_109 = arith.addf %mul3A_106, %mul3A_108 : vector<1024x512xf32>
    %add3A_110 = vector.broadcast %get3A_94 : vector<1x512xf32> to vector<1024x512xf32>
    %add3A_111 = arith.addf %add3A_109, %add3A_110 : vector<1024x512xf32>
    %max3A_112 = arith.constant 0.000000e+00 : f32
    %max3A_113 = vector.broadcast %max3A_112 : f32 to vector<1024x512xf32>
    %max3A_114 = arith.maximumf %add3A_111, %max3A_113 : vector<1024x512xf32>
    %mul3A_115 = vector.broadcast %get3A_85 : vector<1x512xf32> to vector<1024x512xf32>
    %mul3A_116 = arith.mulf %mul3A_78, %mul3A_115 : vector<1024x512xf32>
    %mul3A_117 = vector.broadcast %get3A_88 : vector<1x512xf32> to vector<1024x512xf32>
    %mul3A_118 = arith.mulf %mul3A_82, %mul3A_117 : vector<1024x512xf32>
    %sub3A_119 = arith.subf %mul3A_116, %mul3A_118 : vector<1024x512xf32>
    %add3A_120 = vector.broadcast %get3A_91 : vector<1x512xf32> to vector<1024x512xf32>
    %add3A_121 = arith.addf %sub3A_119, %add3A_120 : vector<1024x512xf32>
    %max3A_122 = arith.constant 0.000000e+00 : f32
    %max3A_123 = vector.broadcast %max3A_122 : f32 to vector<1024x512xf32>
    %max3A_124 = arith.maximumf %add3A_121, %max3A_123 : vector<1024x512xf32>
    %mul3A_125 = vector.broadcast %get3A_85 : vector<1x512xf32> to vector<1024x512xf32>
    %mul3A_126 = arith.mulf %mul3A_82, %mul3A_125 : vector<1024x512xf32>
    %mul3A_127 = vector.broadcast %get3A_88 : vector<1x512xf32> to vector<1024x512xf32>
    %mul3A_128 = arith.mulf %mul3A_78, %mul3A_127 : vector<1024x512xf32>
    %add3A_129 = arith.addf %mul3A_126, %mul3A_128 : vector<1024x512xf32>
    %add3A_130 = vector.broadcast %get3A_94 : vector<1x512xf32> to vector<1024x512xf32>
    %add3A_131 = arith.addf %add3A_129, %add3A_130 : vector<1024x512xf32>
    %max3A_132 = arith.constant 0.000000e+00 : f32
    %max3A_133 = vector.broadcast %max3A_132 : f32 to vector<1024x512xf32>
    %max3A_134 = arith.maximumf %add3A_131, %max3A_133 : vector<1024x512xf32>
    %add3A_135 = arith.addf %max3A_104, %max3A_124 : vector<1024x512xf32>
    %add3A_136 = arith.addf %max3A_114, %max3A_134 : vector<1024x512xf32>
    %sub3A_137 = arith.subf %max3A_104, %max3A_124 : vector<1024x512xf32>
    %sub3A_138 = arith.subf %max3A_114, %max3A_134 : vector<1024x512xf32>
    %mul3A_139 = vector.broadcast %get3A_55 : vector<1024x1xf32> to vector<1024x512xf32>
    %mul3A_140 = arith.mulf %sub3A_137, %mul3A_139 : vector<1024x512xf32>
    %mul3A_141 = vector.broadcast %get3A_58 : vector<1024x1xf32> to vector<1024x512xf32>
    %mul3A_142 = arith.mulf %sub3A_138, %mul3A_141 : vector<1024x512xf32>
    %sub3A_143 = arith.subf %mul3A_140, %mul3A_142 : vector<1024x512xf32>
    %mul3A_144 = vector.broadcast %get3A_55 : vector<1024x1xf32> to vector<1024x512xf32>
    %mul3A_145 = arith.mulf %sub3A_138, %mul3A_144 : vector<1024x512xf32>
    %mul3A_146 = vector.broadcast %get3A_58 : vector<1024x1xf32> to vector<1024x512xf32>
    %mul3A_147 = arith.mulf %sub3A_137, %mul3A_146 : vector<1024x512xf32>
    %add3A_148 = arith.addf %mul3A_145, %mul3A_147 : vector<1024x512xf32>
    %dot_general3A_149 = arith.constant dense<0.000000e+00> : vector<1024x512xf32>
    %dot_general3A_150 = tpu.matmul %get3A_36, %add3A_135, %dot_general3A_149 {dimension_numbers = #tpu.dot_dimension_numbers<[1], [0], [0], [1], [0, 0, 1, 1], [], []>, transpose_lhs_hint = false} : vector<1024x1024xf32>, vector<1024x512xf32>, vector<1024x512xf32> -> vector<1024x512xf32>
    %dot_general3A_151 = arith.constant dense<0.000000e+00> : vector<1024x512xf32>
    %dot_general3A_152 = tpu.matmul %get3A_39, %add3A_136, %dot_general3A_151 {dimension_numbers = #tpu.dot_dimension_numbers<[1], [0], [0], [1], [0, 0, 1, 1], [], []>, transpose_lhs_hint = false} : vector<1024x1024xf32>, vector<1024x512xf32>, vector<1024x512xf32> -> vector<1024x512xf32>
    %sub3A_153 = arith.subf %dot_general3A_150, %dot_general3A_152 : vector<1024x512xf32>
    %mul3A_154 = arith.constant 0.0220970865 : f32
    %mul3A_155 = vector.broadcast %mul3A_154 : f32 to vector<1024x512xf32>
    %mul3A_156 = arith.mulf %sub3A_153, %mul3A_155 : vector<1024x512xf32>
    %dot_general3A_157 = arith.constant dense<0.000000e+00> : vector<1024x512xf32>
    %dot_general3A_158 = tpu.matmul %get3A_36, %sub3A_143, %dot_general3A_157 {dimension_numbers = #tpu.dot_dimension_numbers<[1], [0], [0], [1], [0, 0, 1, 1], [], []>, transpose_lhs_hint = false} : vector<1024x1024xf32>, vector<1024x512xf32>, vector<1024x512xf32> -> vector<1024x512xf32>
    %dot_general3A_159 = arith.constant dense<0.000000e+00> : vector<1024x512xf32>
    %dot_general3A_160 = tpu.matmul %get3A_39, %add3A_148, %dot_general3A_159 {dimension_numbers = #tpu.dot_dimension_numbers<[1], [0], [0], [1], [0, 0, 1, 1], [], []>, transpose_lhs_hint = false} : vector<1024x1024xf32>, vector<1024x512xf32>, vector<1024x512xf32> -> vector<1024x512xf32>
    %sub3A_161 = arith.subf %dot_general3A_158, %dot_general3A_160 : vector<1024x512xf32>
    %mul3A_162 = arith.constant 0.0220970865 : f32
    %mul3A_163 = vector.broadcast %mul3A_162 : f32 to vector<1024x512xf32>
    %mul3A_164 = arith.mulf %sub3A_161, %mul3A_163 : vector<1024x512xf32>
    %get3A_165 = arith.constant 0 : index
    %get3A_166 = arith.constant 0 : index
    %get3A_167 = arith.constant 0 : index
    %get3A_168 = arith.constant 0 : index
    %get3A_169 = vector.load %arg1[%get3A_165, %get3A_166, %get3A_167, %get3A_168] : memref<1x2x1024x256xf32, #tpu.memory_space<vmem>>, vector<1x1x1024x256xf32>
    %get3A_170 = vector.shape_cast %get3A_169 : vector<1x1x1024x256xf32> to vector<1024x256xf32>
    %get3A_171 = arith.constant 0 : index
    %get3A_172 = arith.constant 0 : index
    %get3A_173 = vector.load %arg4[%get3A_171, %get3A_172] : memref<512x256xf32, #tpu.memory_space<vmem>>, vector<512x256xf32>
    %dot_general3A_174 = arith.constant dense<0.000000e+00> : vector<1024x256xf32>
    %dot_general3A_175 = tpu.matmul %mul3A_156, %get3A_173, %dot_general3A_174 {dimension_numbers = #tpu.dot_dimension_numbers<[1], [0], [0], [1], [0, 0, 1, 1], [], []>, transpose_lhs_hint = false} : vector<1024x512xf32>, vector<512x256xf32>, vector<1024x256xf32> -> vector<1024x256xf32>
    %add3A_176 = arith.addf %get3A_170, %dot_general3A_175 : vector<1024x256xf32>
    %get3A_177 = arith.constant 0 : index
    %get3A_178 = arith.constant 0 : index
    %get3A_179 = vector.load %arg5[%get3A_177, %get3A_178] : memref<1x256xf32, #tpu.memory_space<vmem>>, vector<1x256xf32>
    %add3A_180 = vector.broadcast %get3A_179 : vector<1x256xf32> to vector<1024x256xf32>
    %add3A_181 = arith.addf %add3A_176, %add3A_180 : vector<1024x256xf32>
    %swap3A = arith.constant 0 : index
    %swap3A_182 = arith.constant 0 : index
    %swap3A_183 = arith.constant 0 : index
    %swap3A_184 = arith.constant 0 : index
    %swap3A_185 = vector.load %arg13[%swap3A, %swap3A_182, %swap3A_183, %swap3A_184] : memref<1x2x1024x256xf32, #tpu.memory_space<vmem>>, vector<1x1x1024x256xf32>
    %swap3A_186 = vector.shape_cast %swap3A_185 : vector<1x1x1024x256xf32> to vector<1024x256xf32>
    %swap3A_187 = vector.shape_cast %add3A_181 : vector<1024x256xf32> to vector<1x1x1024x256xf32>
    tpu.vector_store %arg13[%swap3A, %swap3A_182, %swap3A_183, %swap3A_184], %swap3A_187 {strides = array<i32>} : memref<1x2x1024x256xf32, #tpu.memory_space<vmem>>, vector<1x1x1024x256xf32>,
    %get3A_188 = arith.constant 0 : index
    %get3A_189 = arith.constant 1 : index
    %get3A_190 = arith.constant 0 : index
    %get3A_191 = arith.constant 0 : index
    %get3A_192 = vector.load %arg1[%get3A_188, %get3A_189, %get3A_190, %get3A_191] : memref<1x2x1024x256xf32, #tpu.memory_space<vmem>>, vector<1x1x1024x256xf32>
    %get3A_193 = vector.shape_cast %get3A_192 : vector<1x1x1024x256xf32> to vector<1024x256xf32>
    %get3A_194 = arith.constant 0 : index
    %get3A_195 = arith.constant 0 : index
    %get3A_196 = vector.load %arg4[%get3A_194, %get3A_195] : memref<512x256xf32, #tpu.memory_space<vmem>>, vector<512x256xf32>
    %dot_general3A_197 = arith.constant dense<0.000000e+00> : vector<1024x256xf32>
    %dot_general3A_198 = tpu.matmul %mul3A_164, %get3A_196, %dot_general3A_197 {dimension_numbers = #tpu.dot_dimension_numbers<[1], [0], [0], [1], [0, 0, 1, 1], [], []>, transpose_lhs_hint = false} : vector<1024x512xf32>, vector<512x256xf32>, vector<1024x256xf32> -> vector<1024x256xf32>
    %add3A_199 = arith.addf %get3A_193, %dot_general3A_198 : vector<1024x256xf32>
    %get3A_200 = arith.constant 0 : index
    %get3A_201 = arith.constant 0 : index
    %get3A_202 = vector.load %arg5[%get3A_200, %get3A_201] : memref<1x256xf32, #tpu.memory_space<vmem>>, vector<1x256xf32>
    %add3A_203 = vector.broadcast %get3A_202 : vector<1x256xf32> to vector<1024x256xf32>
    %add3A_204 = arith.addf %add3A_199, %add3A_203 : vector<1024x256xf32>
    %swap3A_205 = arith.constant 0 : index
    %swap3A_206 = arith.constant 1 : index
    %swap3A_207 = arith.constant 0 : index
    %swap3A_208 = arith.constant 0 : index
    %swap3A_209 = vector.load %arg13[%swap3A_205, %swap3A_206, %swap3A_207, %swap3A_208] : memref<1x2x1024x256xf32, #tpu.memory_space<vmem>>, vector<1x1x1024x256xf32>
    %swap3A_210 = vector.shape_cast %swap3A_209 : vector<1x1x1024x256xf32> to vector<1024x256xf32>
    %swap3A_211 = vector.shape_cast %add3A_204 : vector<1024x256xf32> to vector<1x1x1024x256xf32>
    tpu.vector_store %arg13[%swap3A_205, %swap3A_206, %swap3A_207, %swap3A_208], %swap3A_211 {strides = array<i32>} : memref<1x2x1024x256xf32, #tpu.memory_space<vmem>>, vector<1x1x1024x256xf32>,
    return
  }
  func.func @transform_0(%arg0: i32) -> (i32, i32, i32, i32) {
    %c0_i32 = arith.constant 0 : i32
    %c0_i32_0 = arith.constant 0 : i32
    %c0_i32_1 = arith.constant 0 : i32
    %c0_i32_2 = arith.constant 0 : i32
    return %arg0, %c0_i32, %c0_i32_0, %c0_i32_1 : i32, i32, i32, i32
  }
  func.func @transform_1(%arg0: i32) -> (i32, i32) {
    %c0_i32 = arith.constant 0 : i32
    %c0_i32_0 = arith.constant 0 : i32
    %c0_i32_1 = arith.constant 0 : i32
    return %c0_i32, %c0_i32_0 : i32, i32
  }
  func.func @transform_2(%arg0: i32) -> (i32, i32) {
    %c0_i32 = arith.constant 0 : i32
    %c0_i32_0 = arith.constant 0 : i32
    %c0_i32_1 = arith.constant 0 : i32
    return %c0_i32, %c0_i32_0 : i32, i32
  }
  func.func @transform_3(%arg0: i32) -> (i32, i32) {
    %c0_i32 = arith.constant 0 : i32
    %c0_i32_0 = arith.constant 0 : i32
    %c0_i32_1 = arith.constant 0 : i32
    return %c0_i32, %c0_i32_0 : i32, i32
  }
  func.func @transform_4(%arg0: i32) -> (i32, i32) {
    %c0_i32 = arith.constant 0 : i32
    %c0_i32_0 = arith.constant 0 : i32
    %c0_i32_1 = arith.constant 0 : i32
    return %c0_i32, %c0_i32_0 : i32, i32
  }
  func.func @transform_5(%arg0: i32) -> (i32, i32) {
    %c0_i32 = arith.constant 0 : i32
    %c0_i32_0 = arith.constant 0 : i32
    %c0_i32_1 = arith.constant 0 : i32
    return %c0_i32, %c0_i32_0 : i32, i32
  }
  func.func @transform_6(%arg0: i32) -> (i32, i32) {
    %c0_i32 = arith.constant 0 : i32
    %c0_i32_0 = arith.constant 0 : i32
    %c0_i32_1 = arith.constant 0 : i32
    return %c0_i32, %c0_i32_0 : i32, i32
  }
  func.func @transform_7(%arg0: i32) -> (i32, i32) {
    %c0_i32 = arith.constant 0 : i32
    %c0_i32_0 = arith.constant 0 : i32
    %c0_i32_1 = arith.constant 0 : i32
    return %c0_i32, %c0_i32_0 : i32, i32
  }
  func.func @transform_8(%arg0: i32) -> (i32, i32) {
    %c0_i32 = arith.constant 0 : i32
    %c0_i32_0 = arith.constant 0 : i32
    %c0_i32_1 = arith.constant 0 : i32
    return %c0_i32, %c0_i32_0 : i32, i32
  }
  func.func @transform_9(%arg0: i32) -> (i32, i32) {
    %c0_i32 = arith.constant 0 : i32
    %c0_i32_0 = arith.constant 0 : i32
    %c0_i32_1 = arith.constant 0 : i32
    return %c0_i32, %c0_i32_0 : i32, i32
  }
  func.func @transform_10(%arg0: i32) -> (i32, i32) {
    %c0_i32 = arith.constant 0 : i32
    %c0_i32_0 = arith.constant 0 : i32
    %c0_i32_1 = arith.constant 0 : i32
    return %c0_i32, %c0_i32_0 : i32, i32
  }
  func.func @transform_11(%arg0: i32) -> (i32, i32) {
    %c0_i32 = arith.constant 0 : i32
    %c0_i32_0 = arith.constant 0 : i32
    %c0_i32_1 = arith.constant 0 : i32
    return %c0_i32, %c0_i32_0 : i32, i32
  }
  func.func @transform_12(%arg0: i32) -> (i32, i32, i32, i32) {
    %c0_i32 = arith.constant 0 : i32
    %c0_i32_0 = arith.constant 0 : i32
    %c0_i32_1 = arith.constant 0 : i32
    %c0_i32_2 = arith.constant 0 : i32
    return %arg0, %c0_i32, %c0_i32_0, %c0_i32_1 : i32, i32, i32, i32
  }
}

</mosaic_0001>

<sc_bundles>
// kernel: sparse-core-data-format-call.1.cloned.1.call-start
scs
called_computation.1_lowered:
.L_overlay_start_0:
0x0: {  	s1 =	sld [smem:$0x3FD9]  }
0x1: {  	s2 =	sld [smem:$0x3FFE];
	_ =	sdelay $0x1  }
0x2: {  	s3 =	srdreg.scid  }
0x3: {  	s0 =	sand.u32 $0x1, s3  }
0x4: {  	s17 =	sshll.u32 s0, $0xA;
	s1 =	sadd.s32 s2, s1  }
0x5: {  	s1 =	sadd.s32 s1, s17  }
0x6: {  	[smem:$0x3FAE] =	sst s1  }
0x7: {  	_ = 	snop  }
0x8: {  	(tm) =	ssettm $0x1  }
0x9: {  	s18 =	sld [smem:$0x3FFB];
	_ =	sdelay $0x3  }
0xa: {  	_ =	strace s18  }
0xb: {  	s1 =	sld [smem:$0x3FFC];
	_ =	sdelay $0x3  }
0xc: {  	_ =	strace s1  }
0xd: {  	s1 =	sld [smem:$0x3FFD];
	_ =	sdelay $0x3  }
0xe: {  	_ =	strace s1  }
0xf: {  	_ =	strace $0x8FFFFFFF  }
0x10: {  	s19 =	sld [smem:$0x3FDB];
	_ =	sdelay $0x1  }
0x11: {  	s20 =	simm.s32 $_scs_section_size  }
0x12: {  	s4 =	simm.s32 $_size__tile_overlayer_lowered;
	s5 =	simm.s32 $_tile_overlayer_lowered  }
0x13: {  	s23 =	simm.s32 $0x1BFF;
	s22 =	sshll.u32 s5, $0x1;
	s1 =	sadd.s32 s20, s19  }
0x14: {  	s6 =	simm.s32 $0x0;
	s21 =	sshll.u32 s4, $0x1;
	s4 =	sadd.s32 s22, s1  }
0x15: {  	[timem:s6], [sflag:s23] =	dma.local [hbm:s4], s21  }
0x16: {  	_ =	swait.ge [sflag:s23], s21  }
0x17: {  	s2 =	ssub.s32 $0x0, s21;
	[sflag:s23] =	ssyncset.done $0x0  }
0x18: {  	[sflag:s23] =	ssyncadd.s32 s2;
	_ =	sdelay $0x1  }
0x19: {  	s24 =	simm.s32 $0x1B8B  }
0x1a: {  	_ =	swait.ge [sflag:s24], $0x1  }
0x1b: {  	[sflag:s24] =	ssyncset.done $0x0  }
0x1c: {  	s26 =	simm.s32 $0x1B8E;
	s25 =	sld [smem:$0x3FFE];
	[sflag:s24] =	ssyncadd.s32 $0xFFFFFFFF  }
0x1d: {  	s27 =	simm.s32 $execute0_lowered;
	[smem:$0x3FD2] =	sst s26  }
0x1e: {  	s4 =	sshll.u32 s27, $0x1;
	_ =	strace $0x80000049;
	[dreg:$0x1] =	wrdreg $0xFFFFFFFF  }
0x1f: {  	s28 =	simm.s32 $_size_execute0_lowered;
	s1 =	sadd.s32 s1, s4;
	[dreg:$0x0] =	wrdreg $0x0  }
0x20: {  	s4 =	sshll.u32 s28, $0x1;
	[dreg:$0x2] =	wrdreg s1  }
0x21: {  	[dreg:$0x3] =	wrdreg s4  }
0x22: {  	[dreg:$0x4] =	wrdreg $0xC0  }
0x23: {  	_ =	task [dreg:s6], $0x5FFFF  }
0x24: {  	[dreg:$0x1] =	wrdreg $0xFFFFFFFF  }
0x25: {  	[dreg:$0x0] =	wrdreg $0x60  }
0x26: {  	[dreg:$0x2] =	wrdreg s25  }
0x27: {  	[dreg:$0x3] =	wrdreg $0x9  }
0x28: {  	_ =	task.clear_ibuf [dreg:s6], $0x4FFFF;
	_ =	strace $0x90000049  }
0x29: {  	s29 =	simm.s32 $0x9;
	_ =	strace $0x8000004B  }
0x2a: {  	_ =	swait.ge [sflag:s29], $0x1  }
0x2b: {  	[sflag:s29] =	ssyncadd.s32 $0xFFFFFFFF  }
0x2c: {  	_ =	strace $0x9000004B  }
0x2d: {  	_ =	sfence  }
0x2e: {  	s30 =	sld [smem:$0x0];
	_ =	sdelay $0x2  }
0x2f: {  	s31 =	sshll.u32 s3, $0xD;
	s3 =	sshrl.u32 s3, $0x2  }
0x30: {  	s2 =	sand.u32 $0x4000, s31;
	s1 =	sadd.s32 s3, s30  }
0x31: {  	s0 =	sor.u32 s2, s0;
	s1 =	sshll.u32 s1, $0x11  }
0x32: {  	s0 =	sor.u32 s1, s0  }
0x33: {  	s0 =	sadd.s32 $0x8F2B, s0  }
0x34: {  	[sflag:s0] =	ssyncadd.remote.s32 $0x1  }
0x35: {  	_ =	sfence.sel $0xFFFF  }
0x36: {  	[dreg:$0x0] =	wrdreg $0xFFFFFFFF;
	(pc) =	sbr.abs _section_cstart, $3  }
0x37: {  	[dreg:$0x1] =	wrdreg $0xFFFFFFFF  }
0x38: {  	_ =	task.clear_ibuf [dreg:s6], $0x2FFFF;
	_ =	strace $0x9FFFFFFF  }
0x39: {  	(tm) =	ssettm $0x7FFFFFFF  }
tec
execute0_lowered:
.L_overlay_start_1:
0x0: {  	(tag) =	ssettag $0x1  }
0x1: {  	s1 =	rddreg [dreg:$0x0]  }
0x2: {  	s0 =	rddreg [dreg:$0x1];
	s2 =	srdreg.scid;
	_ =	strace $0x8000004A  }
0x3: {  	s5 =	simm.s32 $0x1;
	s8 =	simm.s32 $0x2;
	s15 =	simm.s32 $0x0  }
0x4: {  	s16 =	simm.s32 $0x0;
	s17 =	simm.s32 $0x0;
	s18 =	simm.s32 $0x0  }
0x5: {  	s11 =	simm.s32 $0x0;
	s12 =	simm.s32 $0x0;
	s14 =	stileid.u32  }
0x6: {  	s10 =	simm.s32 $0x0;
	s2 =	sand.u32 $0x1, s2;
	s3 =	sadd.s32 $0x4C00, s1  }
.Ltmp0:
0x7: {  	s4 =	sadd.s32 $0x104C00, s1;
	s6 =	ssub.s32 $0x2, s2;
	(pc) =	sbr.rel .LBB1_1-.Ltmp0, $4  }
0x8: {  	s1 =	stileid.u32;
	[sflag:s5] =	ssyncpa.u1 $0x0;
	s7 =	sshrl.u32 s6, $0x1  }
0x9: {  	[sflag:s8] =	ssyncpa.u1 $0x0;
	s8 =	simm.s32 $0x2000;
	s9 =	sadd.s32 s2, s7  }
0xa: {  	s13 =	smov.u32 s2;
	s6 =	ssub.s32 s6, s7;
	s31 =	sshll.u32 s9, $0x4  }
0xb: {  	s6 =	sshll.u32 s6, $0x4;
	s9 =	simm.s32 $0x0;
	s7 =	ssub.s32 $0x22, s31  }
.LBB1_4:
0xc: {  	_ =	sdelay $0x3  }
0xd: {  	[tilespmem:v0+s21+$0xFFFFFFA0 ss:$0x1] =	vst.idx.msk $0xffff, v6  }
0xe: {  	v56 =	vld.idx.msk [tilespmem:v1+s20+$0x30 ss:$0x1], $0xffff;
	[tilespmem:v0+s21+$0xFFFFFFB0 ss:$0x1] =	vst.idx.msk $0xffff, v4  }
0xf: {  	v57 =	vld.idx.msk [tilespmem:v1+s20+$0xFFFFFFC0 ss:$0x1], $0xffff;
	[tilespmem:v0+s21+$0xFFFFFFC0 ss:$0x1] =	vst.idx.msk $0xffff, v2  }
0x10: {  	v58 =	vld.idx.msk [tilespmem:v1+s20+$0xFFFFFFD0 ss:$0x1], $0xffff;
	[tilespmem:v0+s21+$0xFFFFFFD0 ss:$0x1] =	vst.idx.msk $0xffff, v3  }
0x11: {  	v59 =	vld.idx.msk [tilespmem:v1+s20+$0xFFFFFFE0 ss:$0x1], $0xffff;
	[tilespmem:v0+s21+$0xFFFFFFE0 ss:$0x1] =	vst.idx.msk $0xffff, v5  }
0x12: {  	v60 =	vld.idx.msk [tilespmem:v1+s20+$0xFFFFFFF0 ss:$0x1], $0xffff;
	[tilespmem:v0+s21+$0xFFFFFFF0 ss:$0x1] =	vst.idx.msk $0xffff, v7  }
0x13: {  	v61 =	vld.idx.msk [tilespmem:v1+s20+$0x0 ss:$0x1], $0xffff;
	s26 =	sand.u32 $0x78, s15;
	s22 =	sshll.u32 s18, $0x8;
	s23 =	sshll.u32 s15, $0x3;
	[tilespmem:v0+s20+$0x0 ss:$0x1] =	vst.idx.msk $0xffff, v56  }
0x14: {  	v62 =	vld.idx.msk [tilespmem:v1+s20+$0x10 ss:$0x1], $0xffff;
	s27 =	sshll.u32 s18, $0x7;
	s17 =	sshll.u32 s17, $0x9;
	s16 =	sshll.u32 s16, $0xA;
	[tilespmem:v0+s20+$0xFFFFFF90 ss:$0x1] =	vst.idx.msk $0xffff, v57  }
0x15: {  	v63 =	vld.idx.msk [tilespmem:v1+s20+$0x20 ss:$0x1], $0xffff;
	s30 =	sand.u32 $0x7, s15;
	s22 =	sand.u32 $0x800, s22;
	s23 =	sand.u32 $0xC00, s23;
	[tilespmem:v0+s20+$0xFFFFFFA0 ss:$0x1] =	vst.idx.msk $0xffff, v58  }
0x16: {  	s28 =	sand.u32 $0x300, s27;
	s18 =	sand.u32 $0x80, s27;
	s22 =	sadd.s32 s22, s23;
	[tilespmem:v0+s20+$0xFFFFFFB0 ss:$0x1] =	vst.idx.msk $0xffff, v59  }
0x17: {  	s17 =	sadd.s32 s4, s17;
	s18 =	sor.u32 s18, s26;
	s22 =	sor.u32 s28, s22;
	[tilespmem:v0+s20+$0xFFFFFFC0 ss:$0x1] =	vst.idx.msk $0xffff, v60  }
0x18: {  	s16 =	sadd.s32 s16, s17;
	s18 =	sshrl.u32 s18, $0x3;
	s29 =	sshrl.u32 s22, $0x3;
	[tilespmem:v0+s20+$0xFFFFFFD0 ss:$0x1] =	vst.idx.msk $0xffff, v61  }
0x19: {  	s15 =	sshll.u32 s30, $0x12;
	s16 =	sadd.s32 s18, s16;
	[tilespmem:v0+s20+$0xFFFFFFE0 ss:$0x1] =	vst.idx.msk $0xffff, v62;
	s31 =	sand.u32 $0x1E0, s29  }
0x1a: {  	s15 =	sor.u32 $0x80, s15;
	[tilespmem:v0+s20+$0xFFFFFFF0 ss:$0x1] =	vst.idx.msk $0xffff, v63;
	s16 =	sadd.s32 s31, s16  }
0x1b: {  	[hbm4b:s16+s15] =	stream.strided.scatter [tilespmem:s19], [sflag:$0x2], $0x4000, s8, s15, $0x38;
	[tilespmem:$0x10000] =	vst v63  }
.LBB1_5:
0x1c: {  	s19 =	sadd.s32 $0x80, s11  }
0x1d: {  	s15 =	sadd.s32 $0x80, s12;
	s20 =	smov.u32 s12;
	p1 =	sgt.s32 s19, $0xFF  }
0x1e: {  	s20 =	smov.u32 @p1 s15  }
0x1f: {  	s21 =	smov.u32 s13;
	s15 =	sadd.s32 $0x2, s13;
	p2 =	sgt.s32 s20, $0x3FF  }
0x20: {  	s21 =	smov.u32 @p2 s15  }
0x21: {  	s22 =	smov.u32 s14;
	s15 =	sadd.s32 $0x10, s14;
	p3 =	sgt.s32 s21, $0x1  }
0x22: {  	p0 =	slt.u32 s10, $0x2;
	s22 =	smov.u32 @p3 s15  }
0x23: {  	s10 =	sadd.s32 $0x1, s10;
	s19 =	simm.s32 @p1 $0x0;
	p1 =	sgt.s32 s22, $0xF  }
0x24: {  	s23 =	simm.s32 @!p0 $0x2;
	s22 =	smov.u32 @p1 s1;
	p1 =	sne.s32 s10, s7  }
.Ltmp1:
0x25: {  	s16 =	smov.u32 s12;
	_ =	swait.ge @!p0 [sflag:s23], $0x4000;
	(pc) =	sbr.rel @!p1 .LBB1_6-.Ltmp1, $4  }
0x26: {  	s17 =	smov.u32 s13;
	s18 =	smov.u32 s14;
	[sflag:s23] =	ssyncset.done @!p0 $0x0  }
0x27: {  	s9 =	sadd.s32 $0x4000, s9;
	s20 =	simm.s32 @p2 $0x0;
	[sflag:s23] =	ssyncadd.s32 @!p0 $0xFFFFC000  }
0x28: {  	s12 =	smov.u32 s20;
	s21 =	smov.u32 @p3 s2;
	s15 =	smov.u32 s11  }
0x29: {  	s11 =	smov.u32 s19;
	s13 =	smov.u32 s21;
	s14 =	smov.u32 s22  }
.LBB1_1:
0x2a: {  	p0 =	sge.u32 s10, s6;
	s31 =	sadd.s32 $0xFFFFFFFF, s10  }
0x2b: {  	s19 =	sxor.u32 @!p0 $0xFFFFFFFF, s10;
	s20 =	sand.u32 @!p0 $0x78, s11;
	s21 =	sshll.u32 @!p0 s12, $0x8  }
0x2c: {  	s22 =	sshll.u32 @!p0 s11, $0x3;
	s23 =	sshll.u32 @!p0 s12, $0x7;
	s19 =	sshll.u32 @!p0 s19, $0xE  }
0x2d: {  	s21 =	sand.u32 @!p0 $0x3F800, s21;
	s22 =	sand.u32 @!p0 $0x3FC00, s22;
	s19 =	sand.u32 @!p0 $0x4000, s19  }
0x2e: {  	s21 =	sadd.s32 @!p0 s21, s22;
	s22 =	sand.u32 @!p0 $0x300, s23;
	s23 =	sand.u32 @!p0 $0x80, s23  }
0x2f: {  	s21 =	sor.u32 @!p0 s22, s21;
	s20 =	sor.u32 @!p0 s20, s23;
	s22 =	sshll.u32 @!p0 s14, $0x10  }
0x30: {  	s23 =	sshll.u32 @!p0 s13, $0xF;
	s21 =	sshrl.u32 @!p0 s21, $0x3;
	s22 =	sadd.s32 @!p0 s3, s22  }
0x31: {  	s20 =	sshrl.u32 @!p0 s20, $0x3;
	s22 =	sadd.s32 @!p0 s23, s22;
	s23 =	sand.u32 @!p0 $0x7, s11  }
0x32: {  	s21 =	sand.u32 @!p0 $0x7FE0, s21;
	s20 =	sadd.s32 @!p0 s20, s22;
	s22 =	sshll.u32 @!p0 s23, $0x12  }
0x33: {  	s20 =	sadd.s32 @!p0 s21, s20;
	s21 =	sor.u32 @!p0 $0x400, s22;
	s22 =	simm.s32 @!p0 $0x800  }
0x34: {  	[tilespmem:s19], [sflag:$0x1] =	stream.strided.gather @!p0 [hbm4b:s20+s21], $0x4000, s22, s21, $0x38;
	[tilespmem:$0x10000] =	vst v63  }
0x35: {  	p0 =	sge.u32 s31, s6  }
.Ltmp2:
0x36: {  	_ = 	snop;
	(pc) =	sbr.rel @p0 .LBB1_5-.Ltmp2, $1  }
0x37: {  	_ =	sdelay $0x3  }
0x38: {  	s19 =	sand.u32 $0x4000, s9  }
0x39: {  	s20 =	sor.u32 $0x40, s19  }
0x3a: {  	v1 =	vmov s20;
	_ =	sdelay $0x1  }
0x3b: {  	_ =	swait.ge [sflag:s5], $0x4000  }
0x3c: {  	[sflag:s5] =	ssyncset.done $0x0  }
0x3d: {  	s21 =	simm.s32 $0x0;
	[sflag:s5] =	ssyncadd.s32 $0xFFFFC000  }
0x3e: {  	s19 =	sor.u32 $0x8070, s19;
	v7 =	vld.idx.msk [tilespmem:v1+s21+$0x30 ss:$0x1], $0xffff  }
0x3f: {  	v0 =	vmov s19;
	v8 =	vld.idx.msk [tilespmem:v1+s21+$0xFFFFFFC0 ss:$0x1], $0xffff  }
0x40: {  	v6 =	vld.idx.msk [tilespmem:v1+s21+$0xFFFFFFD0 ss:$0x1], $0xffff  }
0x41: {  	v4 =	vld.idx.msk [tilespmem:v1+s21+$0xFFFFFFE0 ss:$0x1], $0xffff  }
0x42: {  	v2 =	vld.idx.msk [tilespmem:v1+s21+$0xFFFFFFF0 ss:$0x1], $0xffff  }
0x43: {  	s31 =	sshll.u32 s10, $0xE;
	v3 =	vld.idx.msk [tilespmem:v1+s21+$0x0 ss:$0x1], $0xffff  }
0x44: {  	s19 =	sand.u32 $0x4000, s31;
	v5 =	vld.idx.msk [tilespmem:v1+s21+$0x10 ss:$0x1], $0xffff;
	[tilespmem:v0+s21+$0x0 ss:$0x1] =	vst.idx.msk $0xffff, v7  }
0x45: {  	s22 =	simm.s32 $0x400;
	s20 =	simm.s32 $0x80;
	s19 =	sor.u32 $0x8000, s19;
	[tilespmem:v0+s21+$0xFFFFFF90 ss:$0x1] =	vst.idx.msk $0xffff, v8;
	v7 =	vld.idx.msk [tilespmem:v1+s21+$0x20 ss:$0x1], $0xffff  }
.LBB1_3:
0x46: {  	p0 =	sne.s32 s22, $0xFE00;
	v8 =	vld.idx.msk [tilespmem:v1+s20+$0x30 ss:$0x1], $0xffff;
	[tilespmem:v0+s21+$0xFFFFFFA0 ss:$0x1] =	vst.idx.msk $0xffff, v6  }
0x47: {  	v9 =	vld.idx.msk [tilespmem:v1+s20+$0xFFFFFFC0 ss:$0x1], $0xffff;
	[tilespmem:v0+s21+$0xFFFFFFB0 ss:$0x1] =	vst.idx.msk $0xffff, v4  }
0x48: {  	v6 =	vld.idx.msk [tilespmem:v1+s20+$0xFFFFFFD0 ss:$0x1], $0xffff;
	[tilespmem:v0+s21+$0xFFFFFFC0 ss:$0x1] =	vst.idx.msk $0xffff, v2  }
.Ltmp3:
0x49: {  	v4 =	vld.idx.msk [tilespmem:v1+s20+$0xFFFFFFE0 ss:$0x1], $0xffff;
	[tilespmem:v0+s21+$0xFFFFFFD0 ss:$0x1] =	vst.idx.msk $0xffff, v3;
	(pc) =	sbr.rel @p0 .LBB1_3-.Ltmp3, $4  }
0x4a: {  	v2 =	vld.idx.msk [tilespmem:v1+s20+$0xFFFFFFF0 ss:$0x1], $0xffff;
	[tilespmem:v0+s21+$0xFFFFFFE0 ss:$0x1] =	vst.idx.msk $0xffff, v5  }
0x4b: {  	v3 =	vld.idx.msk [tilespmem:v1+s20+$0x0 ss:$0x1], $0xffff;
	[tilespmem:v0+s21+$0xFFFFFFF0 ss:$0x1] =	vst.idx.msk $0xffff, v7;
	s21 =	smov.u32 s20  }
0x4c: {  	v5 =	vld.idx.msk [tilespmem:v1+s21+$0x10 ss:$0x1], $0xffff;
	[tilespmem:v0+s21+$0x0 ss:$0x1] =	vst.idx.msk $0xffff, v8  }
0x4d: {  	s20 =	sshra.s32 s22, $0x2;
	s22 =	sadd.s32 $0x200, s22;
	[tilespmem:v0+s21+$0xFFFFFF90 ss:$0x1] =	vst.idx.msk $0xffff, v9;
	v7 =	vld.idx.msk [tilespmem:v1+s21+$0x20 ss:$0x1], $0xffff  }
.Ltmp4:
0x4e: {  	_ = 	snop;
	(pc) =	sbr.rel .LBB1_4-.Ltmp4, $1  }
0x4f: {  	_ =	sdelay $0x3  }
.LBB1_6:
0x50: {  	_ =	sfence.sel $0x180000  }
0x51: {  	s2 =	simm.s32 $0x1;
	[bflag:$0x0] =	sbarrier.arrive $0xFFFF  }
0x52: {  	s31 =	simm.s32 $0x2;
	[sflag:s2] =	ssyncpa.u1 $0x1  }
0x53: {  	[sflag:s31] =	ssyncpa.u1 $0x1  }
0x54: {  	p0 =	sne.s32 s1, $0x0;
	_ =	strace $0x9000004A  }
0x55: {  	s0 =	sadd.s32 @!p0 $0x100000, s0;
	[bflag:$0x2] =	sbarrier.arrive $0xFFFF  }
0x56: {  	[sflag:s0] =	ssyncadd.tile.s32 @!p0 $0x1;
	_ =	shalt  }
.Lfunc_end1:
_tile_overlayer_lowered:
.L_overlay_start_2:
0x57: {  	(tag) =	ssettag $0x2  }
0x58: {  	s0 =	rddreg [dreg:$0x0];
	s2 =	stileid.u32  }
0x59: {  	s1 =	rddreg [dreg:$0x1];
	p0 =	sne.s32 s2, $0x0  }
0x5a: {  	s3 =	rddreg [dreg:$0x2];
	[bflag:$0x3] =	sbarrier.arrive $0xFFFF;
	s2 =	simm.s32 @!p0 $0x1C01  }
0x5b: {  	[timem:s3], [sflag:s2] =	dma.local @!p0 [hbm:s0], s1  }
0x5c: {  	s0 =	simm.s32 @!p0 $0x1  }
0x5d: {  	_ =	swait.ge @!p0 [sflag:s0], s1  }
0x5e: {  	s1 =	ssub.s32 @!p0 $0x0, s1;
	[sflag:s0] =	ssyncset.done @!p0 $0x0  }
0x5f: {  	[sflag:s0] =	ssyncadd.s32 @!p0 s1  }
0x60: {  	[bflag:$0x3] =	sbarrier.arrive $0xFFFF  }
0x61: {  	_ =	shalt  }

// kernel: sparse-core-data-format-call.2.cloned.1.call-start
scs
called_computation.2_lowered:
.L_overlay_start_0:
0x0: {  	s2 =	sld [smem:$0x3FD9]  }
0x1: {  	s3 =	sld [smem:$0x3FFE];
	_ =	sdelay $0x1  }
0x2: {  	s1 =	srdreg.scid  }
0x3: {  	s0 =	sand.u32 $0x1, s1  }
0x4: {  	s18 =	sshll.u32 s0, $0xA;
	s2 =	sadd.s32 s3, s2  }
0x5: {  	s2 =	sadd.s32 s2, s18  }
0x6: {  	[smem:$0x3FAE] =	sst s2  }
0x7: {  	_ = 	snop  }
0x8: {  	s2 =	sld [smem:$0x3FD0];
	(tm) =	ssettm $0x1  }
0x9: {  	s19 =	sld [smem:$0x3FFB];
	_ =	sdelay $0x3  }
0xa: {  	_ =	strace s19  }
0xb: {  	s3 =	sld [smem:$0x3FFC];
	_ =	sdelay $0x3  }
0xc: {  	_ =	strace s3  }
0xd: {  	s3 =	sld [smem:$0x3FFD];
	_ =	sdelay $0x3  }
0xe: {  	_ =	strace s3  }
0xf: {  	_ =	strace $0x8FFFFFFF  }
0x10: {  	s20 =	sld [smem:$0x3FDB];
	_ =	sdelay $0x1  }
0x11: {  	s4 =	simm.s32 $_scs_section_size  }
0x12: {  	s5 =	simm.s32 $_size__tile_overlayer_lowered;
	s6 =	simm.s32 $_tile_overlayer_lowered  }
0x13: {  	s23 =	simm.s32 $0x1BFF;
	s22 =	sshll.u32 s6, $0x1;
	s3 =	sadd.s32 s4, s20  }
0x14: {  	s7 =	simm.s32 $0x0;
	s21 =	sshll.u32 s5, $0x1;
	s5 =	sadd.s32 s22, s3  }
0x15: {  	[timem:s7], [sflag:s23] =	dma.local [hbm:s5], s21  }
0x16: {  	_ =	swait.ge [sflag:s23], s21  }
0x17: {  	s4 =	ssub.s32 $0x0, s21;
	[sflag:s23] =	ssyncset.done $0x0  }
0x18: {  	[sflag:s23] =	ssyncadd.s32 s4;
	_ =	sdelay $0x1  }
0x19: {  	s24 =	simm.s32 $0x1B8B  }
0x1a: {  	_ =	swait.ge [sflag:s24], $0x1  }
0x1b: {  	[sflag:s24] =	ssyncset.done $0x0  }
0x1c: {  	s26 =	simm.s32 $0x1B8E;
	s25 =	sld [smem:$0x3FFE];
	[sflag:s24] =	ssyncadd.s32 $0xFFFFFFFF  }
0x1d: {  	s27 =	simm.s32 $execute0_lowered;
	[smem:$0x3FD2] =	sst s26  }
0x1e: {  	s5 =	sshll.u32 s27, $0x1;
	_ =	strace $0x80000046;
	[dreg:$0x1] =	wrdreg $0xFFFFFFFF  }
0x1f: {  	s28 =	simm.s32 $_size_execute0_lowered;
	s3 =	sadd.s32 s3, s5;
	[dreg:$0x0] =	wrdreg $0x0  }
0x20: {  	s5 =	sshll.u32 s28, $0x1;
	[dreg:$0x2] =	wrdreg s3  }
0x21: {  	[dreg:$0x3] =	wrdreg s5  }
0x22: {  	[dreg:$0x4] =	wrdreg $0xC0  }
0x23: {  	_ =	task [dreg:s7], $0x5FFFF  }
0x24: {  	[dreg:$0x1] =	wrdreg $0xFFFFFFFF  }
0x25: {  	[dreg:$0x0] =	wrdreg $0x60  }
0x26: {  	[dreg:$0x2] =	wrdreg s2  }
0x27: {  	[dreg:$0x3] =	wrdreg s25  }
0x28: {  	[dreg:$0x4] =	wrdreg $0x9  }
0x29: {  	_ =	task.clear_ibuf [dreg:s7], $0x5FFFF;
	_ =	strace $0x90000046  }
0x2a: {  	s29 =	simm.s32 $0x9;
	_ =	strace $0x80000048  }
0x2b: {  	_ =	swait.ge [sflag:s29], $0x1  }
0x2c: {  	[sflag:s29] =	ssyncadd.s32 $0xFFFFFFFF  }
0x2d: {  	_ =	strace $0x90000048  }
0x2e: {  	_ =	sfence  }
0x2f: {  	s30 =	sld [smem:$0x0];
	_ =	sdelay $0x2  }
0x30: {  	s31 =	sshll.u32 s1, $0xD;
	s1 =	sshrl.u32 s1, $0x2  }
0x31: {  	s3 =	sand.u32 $0x4000, s31;
	s1 =	sadd.s32 s1, s30  }
0x32: {  	s0 =	sor.u32 s3, s0;
	s1 =	sshll.u32 s1, $0x11  }
0x33: {  	s0 =	sor.u32 s1, s0  }
0x34: {  	s0 =	sadd.s32 $0x8F2B, s0  }
0x35: {  	[sflag:s0] =	ssyncadd.remote.s32 $0x1  }
0x36: {  	_ =	sfence.sel $0xFFFF  }
0x37: {  	[dreg:$0x0] =	wrdreg $0xFFFFFFFF;
	(pc) =	sbr.abs _section_cstart, $3  }
0x38: {  	[dreg:$0x1] =	wrdreg $0xFFFFFFFF  }
0x39: {  	_ =	task.clear_ibuf [dreg:s7], $0x2FFFF;
	_ =	strace $0x9FFFFFFF  }
0x3a: {  	(tm) =	ssettm $0x7FFFFFFF  }
0x3b: {  	_ =	shalt  }
tec
execute0_lowered:
.L_overlay_start_1:
0x0: {  	(tag) =	ssettag $0x1  }
0x1: {  	s2 =	rddreg [dreg:$0x0]  }
0x2: {  	s0 =	srdreg.scid;
	s5 =	rddreg [dreg:$0x1];
	s4 =	simm.s32 $0x1  }
0x3: {  	s8 =	simm.s32 $0x2;
	s15 =	simm.s32 $0x0;
	s9 =	simm.s32 $0x0  }
0x4: {  	s16 =	simm.s32 $0x0;
	s17 =	simm.s32 $0x0;
	s1 =	sshll.u32 s0, $0x4  }
0x5: {  	s18 =	simm.s32 $0x0;
	s0 =	stileid.u32;
	s1 =	sand.u32 $0x10, s1  }
0x6: {  	s10 =	simm.s32 $0x0;
	s11 =	simm.s32 $0x0;
	s1 =	sor.u32 s0, s1  }
0x7: {  	s12 =	simm.s32 $0x0;
	s14 =	simm.s32 $0x0;
	s3 =	sshll.u32 s1, $0x2  }
0x8: {  	s26 =	simm.s32 $0x0;
	s5 =	sadd.s32 $0x4C00, s5;
	s6 =	ssub.s32 $0x400, s3  }
.Ltmp0:
0x9: {  	s1 =	rddreg [dreg:$0x2];
	s7 =	sand.u32 $0x7C, s6;
	(pc) =	sbr.rel .LBB1_1-.Ltmp0, $4  }
0xa: {  	_ =	strace $0x80000047;
	p0 =	sne.s32 s7, $0x0;
	s7 =	simm.s32 $0x1  }
0xb: {  	[sflag:s4] =	ssyncpa.u1 $0x0;
	s6 =	sshrl.u32 s6, $0x7;
	s7 =	simm.s32 @!p0 $0x0  }
0xc: {  	s13 =	smov.u32 s3;
	[sflag:s8] =	ssyncpa.u1 $0x0;
	s7 =	sadd.s32 s7, s6  }
0xd: {  	s8 =	simm.s32 $0x40000;
	s6 =	sshll.u32 s7, $0x1;
	s7 =	sshllo.u32 s7, $0x1  }
.LBB1_9:
0xe: {  	s19 =	sadd.s32 $0x80, s10  }
0xf: {  	s15 =	sadd.s32 $0x10, s11;
	s20 =	smov.u32 s11;
	p1 =	sgt.s32 s19, $0xFF  }
0x10: {  	s20 =	smov.u32 @p1 s15  }
0x11: {  	s21 =	smov.u32 s12;
	s15 =	sadd.s32 $0x2, s12;
	p2 =	sgt.s32 s20, $0xF  }
0x12: {  	s21 =	smov.u32 @p2 s15  }
0x13: {  	s22 =	smov.u32 s13;
	s15 =	sadd.s32 $0x80, s13;
	p3 =	sgt.s32 s21, $0x1  }
0x14: {  	p0 =	slt.u32 s14, $0x2;
	s22 =	smov.u32 @p3 s15  }
0x15: {  	s16 =	smov.u32 s11;
	s19 =	simm.s32 @p1 $0x0;
	p1 =	sgt.s32 s22, $0x3FF  }
0x16: {  	s23 =	simm.s32 @!p0 $0x2;
	s22 =	smov.u32 @p1 s3;
	p1 =	sne.s32 s14, s7  }
.Ltmp1:
0x17: {  	s17 =	smov.u32 s12;
	_ =	swait.ge @!p0 [sflag:s23], $0x4000;
	(pc) =	sbr.rel @!p1 .LBB1_10-.Ltmp1, $4  }
0x18: {  	s18 =	smov.u32 s13;
	[sflag:s23] =	ssyncset.done @!p0 $0x0;
	s20 =	simm.s32 @p2 $0x0  }
0x19: {  	s9 =	sadd.s32 $0x4000, s9;
	[sflag:s23] =	ssyncadd.s32 @!p0 $0xFFFFC000;
	s11 =	smov.u32 s20  }
0x1a: {  	s21 =	simm.s32 @p3 $0x0;
	s15 =	smov.u32 s10;
	s10 =	smov.u32 s19  }
0x1b: {  	s12 =	smov.u32 s21;
	s14 =	sadd.s32 $0x1, s14;
	s13 =	smov.u32 s22  }
.LBB1_1:
0x1c: {  	p0 =	sge.u32 s14, s6;
	s31 =	sadd.s32 $0xFFFFFFFF, s14  }
0x1d: {  	s19 =	sxor.u32 @!p0 $0xFFFFFFFF, s14;
	s20 =	sand.u32 @!p0 $0x78, s10;
	s21 =	sshll.u32 @!p0 s11, $0x8  }
0x1e: {  	s22 =	sshll.u32 @!p0 s10, $0x3;
	s23 =	sshll.u32 @!p0 s11, $0x7;
	s19 =	sshll.u32 @!p0 s19, $0xE  }
0x1f: {  	s21 =	sand.u32 @!p0 $0x800, s21;
	s22 =	sand.u32 @!p0 $0xC00, s22;
	s19 =	sand.u32 @!p0 $0x4000, s19  }
0x20: {  	s21 =	sadd.s32 @!p0 s21, s22;
	s22 =	sand.u32 @!p0 $0x300, s23;
	s23 =	sand.u32 @!p0 $0x80, s23  }
0x21: {  	s21 =	sor.u32 @!p0 s22, s21;
	s20 =	sor.u32 @!p0 s20, s23;
	s22 =	sshll.u32 @!p0 s13, $0xA  }
0x22: {  	s23 =	sshll.u32 @!p0 s12, $0x9;
	s21 =	sshrl.u32 @!p0 s21, $0x3;
	s22 =	sadd.s32 @!p0 s2, s22  }
0x23: {  	s20 =	sshrl.u32 @!p0 s20, $0x3;
	s22 =	sadd.s32 @!p0 s23, s22;
	s23 =	sand.u32 @!p0 $0x7, s10  }
0x24: {  	s21 =	sand.u32 @!p0 $0x1E0, s21;
	s20 =	sadd.s32 @!p0 s20, s22;
	s22 =	sshll.u32 @!p0 s23, $0x12  }
0x25: {  	s20 =	sadd.s32 @!p0 s21, s20;
	s21 =	sor.u32 @!p0 $0x400, s22;
	s22 =	simm.s32 @!p0 $0x800  }
0x26: {  	[tilespmem:s19], [sflag:$0x1] =	stream.strided.gather @!p0 [hbm4b:s20+s21], $0x4000, s22, s21, $0x38;
	[tilespmem:$0x10000] =	vst v63  }
0x27: {  	p0 =	sge.u32 s31, s6  }
.Ltmp2:
0x28: {  	_ = 	snop;
	(pc) =	sbr.rel @p0 .LBB1_9-.Ltmp2, $1  }
0x29: {  	_ =	sdelay $0x3  }
0x2a: {  	s20 =	sand.u32 $0x4000, s9;
	_ =	swait.ge [sflag:s4], $0x4000;
	s19 =	sshll.u32 s14, $0xE  }
0x2b: {  	s22 =	simm.s32 $0x0;
	[sflag:s4] =	ssyncset.done $0x0;
	s19 =	sand.u32 $0x4000, s19  }
0x2c: {  	s21 =	sor.u32 $0x8000, s20;
	[sflag:s4] =	ssyncadd.s32 $0xFFFFC000;
	s19 =	sor.u32 $0x8000, s19  }
.LBB1_3:
0x2d: {  	p1 =	por $0x1, $0x1;
	s23 =	simm.s32 $0x0  }
.LBB1_4:
0x2e: {  	s23 =	sshll.u32 s23, $0xB  }
0x2f: {  	s24 =	sand.u32 $0x3FFFF800, s23  }
0x30: {  	s24 =	sadd.s32 s24, s20  }
0x31: {  	v0 =	vmov s24;
	_ =	sdelay $0x4  }
0x32: {  	v6 =	vld.idx.msk [tilespmem:v0+s26+$0x70 ss:$0x1], $0xffff  }
0x33: {  	v7 =	vld.idx.msk [tilespmem:v0+s26+$0x0 ss:$0x1], $0xffff  }
0x34: {  	v5 =	vld.idx.msk [tilespmem:v0+s26+$0x10 ss:$0x1], $0xffff  }
0x35: {  	v1 =	vld.idx.msk [tilespmem:v0+s26+$0x20 ss:$0x1], $0xffff  }
0x36: {  	s23 =	sshra.s32 s23, $0x2;
	v2 =	vld.idx.msk [tilespmem:v0+s26+$0x30 ss:$0x1], $0xffff  }
0x37: {  	s23 =	sadd.s32 s23, s21;
	v3 =	vld.idx.msk [tilespmem:v0+s26+$0x40 ss:$0x1], $0xffff  }
0x38: {  	v4 =	vld.idx.msk [tilespmem:v0+s26+$0x50 ss:$0x1], $0xffff;
	[tilespmem:s23+$0x70] =	vst v6  }
0x39: {  	p0 =	por p1, p1;
	s25 =	simm.s32 $0x400;
	s24 =	simm.s32 $0x80;
	[tilespmem:s23+$0x0] =	vst v7;
	v6 =	vld.idx.msk [tilespmem:v0+s26+$0x60 ss:$0x1], $0xffff  }
.LBB1_5:
0x3a: {  	p1 =	sne.s32 s25, $0x1E00;
	v7 =	vld.idx.msk [tilespmem:v0+s24+$0x70 ss:$0x1], $0xffff;
	[tilespmem:s23+$0x10] =	vst v5  }
0x3b: {  	v8 =	vld.idx.msk [tilespmem:v0+s24+$0x0 ss:$0x1], $0xffff;
	[tilespmem:s23+$0x20] =	vst v1  }
0x3c: {  	v5 =	vld.idx.msk [tilespmem:v0+s24+$0x10 ss:$0x1], $0xffff;
	[tilespmem:s23+$0x30] =	vst v2  }
.Ltmp3:
0x3d: {  	v1 =	vld.idx.msk [tilespmem:v0+s24+$0x20 ss:$0x1], $0xffff;
	[tilespmem:s23+$0x40] =	vst v3;
	(pc) =	sbr.rel @p1 .LBB1_5-.Ltmp3, $4  }
0x3e: {  	v2 =	vld.idx.msk [tilespmem:v0+s24+$0x30 ss:$0x1], $0xffff;
	[tilespmem:s23+$0x50] =	vst v4  }
0x3f: {  	v3 =	vld.idx.msk [tilespmem:v0+s24+$0x40 ss:$0x1], $0xffff;
	[tilespmem:s23+$0x60] =	vst v6;
	s23 =	sadd.s32 $0x400, s23  }
0x40: {  	v4 =	vld.idx.msk [tilespmem:v0+s24+$0x50 ss:$0x1], $0xffff;
	[tilespmem:s23+$0x70] =	vst v7  }
0x41: {  	[tilespmem:s23+$0x0] =	vst v8;
	v6 =	vld.idx.msk [tilespmem:v0+s24+$0x60 ss:$0x1], $0xffff;
	s24 =	sshra.s32 s25, $0x2;
	s25 =	sadd.s32 $0x200, s25  }
0x42: {  	_ =	sdelay $0x2  }
0x43: {  	[tilespmem:s23+$0x10] =	vst v5  }
0x44: {  	v56 =	vld.idx.msk [tilespmem:v0+s24+$0x70 ss:$0x1], $0xffff;
	[tilespmem:s23+$0x20] =	vst v1  }
0x45: {  	v57 =	vld.idx.msk [tilespmem:v0+s24+$0x0 ss:$0x1], $0xffff;
	[tilespmem:s23+$0x30] =	vst v2  }
0x46: {  	v58 =	vld.idx.msk [tilespmem:v0+s24+$0x10 ss:$0x1], $0xffff;
	[tilespmem:s23+$0x40] =	vst v3  }
0x47: {  	v59 =	vld.idx.msk [tilespmem:v0+s24+$0x20 ss:$0x1], $0xffff;
	[tilespmem:s23+$0x50] =	vst v4  }
0x48: {  	v60 =	vld.idx.msk [tilespmem:v0+s24+$0x30 ss:$0x1], $0xffff;
	s31 =	sadd.s32 $0x400, s23;
	[tilespmem:s23+$0x60] =	vst v6  }
0x49: {  	v61 =	vld.idx.msk [tilespmem:v0+s24+$0x40 ss:$0x1], $0xffff;
	[tilespmem:s31+$0x70] =	vst v56  }
0x4a: {  	v62 =	vld.idx.msk [tilespmem:v0+s24+$0x50 ss:$0x1], $0xffff;
	[tilespmem:s31+$0x0] =	vst v57  }
0x4b: {  	v63 =	vld.idx.msk [tilespmem:v0+s24+$0x60 ss:$0x1], $0xffff;
	[tilespmem:s31+$0x10] =	vst v58  }
.Ltmp4:
0x4c: {  	[tilespmem:s31+$0x20] =	vst v59;
	(pc) =	sbr.rel @p0 .LBB1_4-.Ltmp4, $4  }
0x4d: {  	[tilespmem:s31+$0x30] =	vst v60  }
0x4e: {  	[tilespmem:s31+$0x40] =	vst v61  }
0x4f: {  	[tilespmem:s31+$0x50] =	vst v62  }
0x50: {  	p1 =	por $0x0, $0x0;
	s23 =	simm.s32 $0x1;
	[tilespmem:s31+$0x60] =	vst v63  }
0x51: {  	s22 =	sadd.s32 $0x1, s22  }
0x52: {  	p0 =	sne.s32 s22, $0x4  }
.Ltmp5:
0x53: {  	_ = 	snop;
	(pc) =	sbr.rel @p0 .LBB1_3-.Ltmp5, $2  }
0x54: {  	_ =	sdelay $0x2  }
0x55: {  	s21 =	sadd.s32 $0x80, s21;
	s20 =	sadd.s32 $0x1000, s20  }
0x56: {  	s20 =	sand.u32 $0x78, s15  }
0x57: {  	s21 =	sshll.u32 s18, $0x8;
	s22 =	sshll.u32 s15, $0x3;
	s27 =	sshll.u32 s18, $0x7  }
0x58: {  	s17 =	sshll.u32 s17, $0xF;
	s16 =	sshll.u32 s16, $0x10;
	s30 =	sand.u32 $0x7, s15  }
0x59: {  	s21 =	sand.u32 $0x3F800, s21;
	s22 =	sand.u32 $0x3FC00, s22;
	s28 =	sand.u32 $0x300, s27  }
0x5a: {  	s18 =	sand.u32 $0x80, s27;
	s17 =	sadd.s32 s5, s17;
	s21 =	sadd.s32 s21, s22  }
.Ltmp6:
0x5b: {  	s18 =	sor.u32 s18, s20;
	s21 =	sor.u32 s28, s21;
	(pc) =	sbr.rel .LBB1_9-.Ltmp6, $4  }
0x5c: {  	s16 =	sadd.s32 s16, s17;
	s18 =	sshrl.u32 s18, $0x3;
	s29 =	sshrl.u32 s21, $0x3  }
0x5d: {  	s15 =	sshll.u32 s30, $0x12;
	s16 =	sadd.s32 s18, s16;
	s31 =	sand.u32 $0x7FE0, s29  }
0x5e: {  	s15 =	sor.u32 $0x200, s15;
	s16 =	sadd.s32 s31, s16  }
0x5f: {  	[hbm4b:s16+s15] =	stream.strided.scatter [tilespmem:s19], [sflag:$0x2], $0x4000, s8, s15, $0x38;
	[tilespmem:$0x10000] =	vst v63  }
.LBB1_10:
0x60: {  	_ =	sfence.sel $0x180000  }
0x61: {  	s2 =	simm.s32 $0x1;
	[bflag:$0x0] =	sbarrier.arrive $0xFFFF  }
0x62: {  	s31 =	simm.s32 $0x2;
	[sflag:s2] =	ssyncpa.u1 $0x1  }
0x63: {  	[sflag:s31] =	ssyncpa.u1 $0x1  }
0x64: {  	p0 =	sne.s32 s0, $0x0;
	_ =	strace $0x90000047  }
0x65: {  	s0 =	sadd.s32 @!p0 $0x100000, s1;
	[bflag:$0x2] =	sbarrier.arrive $0xFFFF  }
0x66: {  	[sflag:s0] =	ssyncadd.tile.s32 @!p0 $0x1;
	_ =	shalt  }
.Lfunc_end1:
_tile_overlayer_lowered:
.L_overlay_start_2:
0x67: {  	(tag) =	ssettag $0x2  }
0x68: {  	s0 =	rddreg [dreg:$0x0];
	s2 =	stileid.u32  }
0x69: {  	s1 =	rddreg [dreg:$0x1];
	p0 =	sne.s32 s2, $0x0  }
0x6a: {  	s3 =	rddreg [dreg:$0x2];
	[bflag:$0x3] =	sbarrier.arrive $0xFFFF;
	s2 =	simm.s32 @!p0 $0x1C01  }
0x6b: {  	[timem:s3], [sflag:s2] =	dma.local @!p0 [hbm:s0], s1  }
0x6c: {  	s0 =	simm.s32 @!p0 $0x1  }
0x6d: {  	_ =	swait.ge @!p0 [sflag:s0], s1  }
0x6e: {  	s1 =	ssub.s32 @!p0 $0x0, s1;
	[sflag:s0] =	ssyncset.done @!p0 $0x0  }
0x6f: {  	[sflag:s0] =	ssyncadd.s32 @!p0 s1  }
0x70: {  	[bflag:$0x3] =	sbarrier.arrive $0xFFFF  }
0x71: {  	_ =	shalt  }

// kernel: sparse-core-data-format-call.cloned.1.call-start
scs
called_computation_lowered:
.L_overlay_start_0:
0x0: {  	s2 =	sld [smem:$0x3FD9]  }
0x1: {  	s3 =	sld [smem:$0x3FFE];
	_ =	sdelay $0x1  }
0x2: {  	s1 =	srdreg.scid  }
0x3: {  	s0 =	sand.u32 $0x1, s1  }
0x4: {  	s18 =	sshll.u32 s0, $0xA;
	s2 =	sadd.s32 s3, s2  }
0x5: {  	s2 =	sadd.s32 s2, s18  }
0x6: {  	[smem:$0x3FAE] =	sst s2  }
0x7: {  	_ = 	snop  }
0x8: {  	s2 =	sld [smem:$0x3FD0];
	(tm) =	ssettm $0x1  }
0x9: {  	s19 =	sld [smem:$0x3FFB];
	_ =	sdelay $0x3  }
0xa: {  	_ =	strace s19  }
0xb: {  	s3 =	sld [smem:$0x3FFC];
	_ =	sdelay $0x3  }
0xc: {  	_ =	strace s3  }
0xd: {  	s3 =	sld [smem:$0x3FFD];
	_ =	sdelay $0x3  }
0xe: {  	_ =	strace s3  }
0xf: {  	_ =	strace $0x8FFFFFFF  }
0x10: {  	s20 =	sld [smem:$0x3FDB];
	_ =	sdelay $0x1  }
0x11: {  	s4 =	simm.s32 $_scs_section_size  }
0x12: {  	s5 =	simm.s32 $_size__tile_overlayer_lowered;
	s6 =	simm.s32 $_tile_overlayer_lowered  }
0x13: {  	s23 =	simm.s32 $0x1BFF;
	s22 =	sshll.u32 s6, $0x1;
	s3 =	sadd.s32 s4, s20  }
0x14: {  	s7 =	simm.s32 $0x0;
	s21 =	sshll.u32 s5, $0x1;
	s5 =	sadd.s32 s22, s3  }
0x15: {  	[timem:s7], [sflag:s23] =	dma.local [hbm:s5], s21  }
0x16: {  	_ =	swait.ge [sflag:s23], s21  }
0x17: {  	s4 =	ssub.s32 $0x0, s21;
	[sflag:s23] =	ssyncset.done $0x0  }
0x18: {  	[sflag:s23] =	ssyncadd.s32 s4;
	_ =	sdelay $0x1  }
0x19: {  	s24 =	simm.s32 $0x1B8B  }
0x1a: {  	_ =	swait.ge [sflag:s24], $0x1  }
0x1b: {  	[sflag:s24] =	ssyncset.done $0x0  }
0x1c: {  	s26 =	simm.s32 $0x1B8E;
	s25 =	sld [smem:$0x3FFE];
	[sflag:s24] =	ssyncadd.s32 $0xFFFFFFFF  }
0x1d: {  	s27 =	simm.s32 $execute0_lowered;
	[smem:$0x3FD2] =	sst s26  }
0x1e: {  	s5 =	sshll.u32 s27, $0x1;
	_ =	strace $0x8000004C;
	[dreg:$0x1] =	wrdreg $0xFFFFFFFF  }
0x1f: {  	s28 =	simm.s32 $_size_execute0_lowered;
	s3 =	sadd.s32 s3, s5;
	[dreg:$0x0] =	wrdreg $0x0  }
0x20: {  	s5 =	sshll.u32 s28, $0x1;
	[dreg:$0x2] =	wrdreg s3  }
0x21: {  	[dreg:$0x3] =	wrdreg s5  }
0x22: {  	[dreg:$0x4] =	wrdreg $0xC0  }
0x23: {  	_ =	task [dreg:s7], $0x5FFFF  }
0x24: {  	[dreg:$0x1] =	wrdreg $0xFFFFFFFF  }
0x25: {  	[dreg:$0x0] =	wrdreg $0x60  }
0x26: {  	[dreg:$0x2] =	wrdreg s25  }
0x27: {  	[dreg:$0x3] =	wrdreg s2  }
0x28: {  	[dreg:$0x4] =	wrdreg $0x9  }
0x29: {  	_ =	task.clear_ibuf [dreg:s7], $0x5FFFF;
	_ =	strace $0x9000004C  }
0x2a: {  	s29 =	simm.s32 $0x9;
	_ =	strace $0x8000004E  }
0x2b: {  	_ =	swait.ge [sflag:s29], $0x1  }
0x2c: {  	[sflag:s29] =	ssyncadd.s32 $0xFFFFFFFF  }
0x2d: {  	_ =	strace $0x9000004E  }
0x2e: {  	_ =	sfence  }
0x2f: {  	s30 =	sld [smem:$0x0];
	_ =	sdelay $0x2  }
0x30: {  	s31 =	sshll.u32 s1, $0xD;
	s1 =	sshrl.u32 s1, $0x2  }
0x31: {  	s3 =	sand.u32 $0x4000, s31;
	s1 =	sadd.s32 s1, s30  }
0x32: {  	s0 =	sor.u32 s3, s0;
	s1 =	sshll.u32 s1, $0x11  }
0x33: {  	s0 =	sor.u32 s1, s0  }
0x34: {  	s0 =	sadd.s32 $0x8F2B, s0  }
0x35: {  	[sflag:s0] =	ssyncadd.remote.s32 $0x1  }
0x36: {  	_ =	sfence.sel $0xFFFF  }
0x37: {  	[dreg:$0x0] =	wrdreg $0xFFFFFFFF;
	(pc) =	sbr.abs _section_cstart, $3  }
0x38: {  	[dreg:$0x1] =	wrdreg $0xFFFFFFFF  }
0x39: {  	_ =	task.clear_ibuf [dreg:s7], $0x2FFFF;
	_ =	strace $0x9FFFFFFF  }
0x3a: {  	(tm) =	ssettm $0x7FFFFFFF  }
0x3b: {  	_ =	shalt  }
tec
execute0_lowered:
.L_overlay_start_1:
0x0: {  	(tag) =	ssettag $0x1  }
0x1: {  	s6 =	rddreg [dreg:$0x0]  }
0x2: {  	s0 =	stileid.u32;
	s2 =	rddreg [dreg:$0x1]  }
0x3: {  	s1 =	rddreg [dreg:$0x2];
	s4 =	srdreg.scid;
	_ =	strace $0x8000004D  }
0x4: {  	s31 =	simm.s32 $0x2;
	s16 =	simm.s32 $0x0;
	s15 =	simm.s32 $0x0  }
0x5: {  	s14 =	simm.s32 $0x0;
	s13 =	simm.s32 $0x0;
	s3 =	sshll.u32 s0, $0x7  }
0x6: {  	s4 =	sand.u32 $0x1, s4;
	s6 =	sadd.s32 $0x104C00, s6;
	s5 =	ssub.s32 $0x800, s3  }
0x7: {  	s8 =	ssub.s32 $0x10, s4;
	s11 =	smov.u32 s4;
	s7 =	sand.u32 $0x780, s5  }
0x8: {  	s9 =	sshrl.u32 s5, $0xB;
	p0 =	sne.s32 s7, $0x0;
	s7 =	simm.s32 $0x1  }
.Ltmp0:
0x9: {  	s10 =	sshrl.u32 s8, $0x1;
	s7 =	simm.s32 @!p0 $0x0;
	(pc) =	sbr.rel .LBB1_1-.Ltmp0, $4  }
0xa: {  	s5 =	simm.s32 $0x1;
	s8 =	ssub.s32 s8, s10;
	s7 =	sadd.s32 s7, s9  }
0xb: {  	s12 =	smov.u32 s3;
	[sflag:s5] =	ssyncpa.u1 $0x0;
	s8 =	smul.u32 s7, s8  }
0xc: {  	s10 =	simm.s32 $0x0;
	[sflag:s31] =	ssyncpa.u1 $0x0;
	p0 =	por $0x0, $0x0  }
0xd: {  	s9 =	simm.s32 $0x4000;
	s7 =	sshll.u32 s8, $0x1;
	s8 =	sshllo.u32 s8, $0x1  }
.LBB1_4:
0xe: {  	v5 =	vld [tilespmem:s19+$0xFFFFFFD0];
	[tilespmem:s20+$0x2040 ss:$0x81] =	vst.msk $0xffff, v1  }
0xf: {  	v58 =	vld [tilespmem:s19+$0xFFFFFFE0];
	[tilespmem:s20+$0x2850 ss:$0x81] =	vst.msk $0xffff, v2  }
0x10: {  	s21 =	sshra.s32 s21, $0x2;
	v59 =	vld [tilespmem:s19+$0xFFFFFFF0];
	[tilespmem:s20+$0x3060 ss:$0x81] =	vst.msk $0xffff, v3  }
0x11: {  	v60 =	vld [tilespmem:s19+$0x0];
	[tilespmem:s20+$0x0 ss:$0x81] =	vst.msk $0xffff, v0;
	s18 =	sadd.s32 s21, s18  }
0x12: {  	v61 =	vld [tilespmem:s19+$0x10];
	s26 =	sshll.u32 s16, $0xB;
	[tilespmem:s18+$0x3870 ss:$0x81] =	vst.msk $0xffff, v4  }
0x13: {  	v62 =	vld [tilespmem:s19+$0x20];
	s27 =	sand.u32 $0x78, s14;
	s22 =	sshll.u32 s14, $0x3;
	s29 =	sshll.u32 s16, $0x7;
	[tilespmem:s18+$0x810 ss:$0x81] =	vst.msk $0xffff, v5  }
0x14: {  	v63 =	vld [tilespmem:s19+$0xFFFFFFC0];
	s15 =	sshll.u32 s15, $0x10;
	s20 =	sand.u32 $0x7C000, s26;
	s28 =	sand.u32 $0x7FC00, s22;
	[tilespmem:s18+$0x1020 ss:$0x81] =	vst.msk $0xffff, v58  }
0x15: {  	s31 =	sand.u32 $0x7, s14;
	s22 =	sand.u32 $0x400, s22;
	s19 =	sadd.s32 s28, s20;
	[tilespmem:s18+$0x1830 ss:$0x81] =	vst.msk $0xffff, v59  }
0x16: {  	s16 =	sand.u32 $0x380, s29;
	s30 =	sor.u32 s27, s22;
	s19 =	sshrl.u32 s19, $0x3;
	[tilespmem:s18+$0x2040 ss:$0x81] =	vst.msk $0xffff, v60  }
0x17: {  	s15 =	sadd.s32 s2, s15;
	s16 =	sor.u32 s16, s30;
	s19 =	sand.u32 $0xFF00, s19;
	[tilespmem:s18+$0x2850 ss:$0x81] =	vst.msk $0xffff, v61  }
0x18: {  	s14 =	sshll.u32 s31, $0x12;
	s16 =	sshrl.u32 s16, $0x3;
	[tilespmem:s18+$0x3060 ss:$0x81] =	vst.msk $0xffff, v62;
	s15 =	sadd.s32 s19, s15  }
0x19: {  	s14 =	sor.u32 $0x400, s14;
	[tilespmem:s18+$0x0 ss:$0x81] =	vst.msk $0xffff, v63;
	s15 =	sadd.s32 s16, s15  }
0x1a: {  	[hbm4b:s15+s14] =	stream.strided.scatter [tilespmem:s17], [sflag:$0x2], $0x4000, s9, s14, $0x20;
	[tilespmem:$0x10100] =	vst v63  }
.LBB1_5:
0x1b: {  	s17 =	sadd.s32 $0x80, s10  }
0x1c: {  	s14 =	sadd.s32 $0x2, s11;
	s18 =	smov.u32 s11;
	p2 =	sgt.s32 s17, $0xFF  }
0x1d: {  	s18 =	smov.u32 @p2 s14  }
0x1e: {  	s20 =	smov.u32 s12;
	s14 =	sadd.s32 $0x800, s12;
	p3 =	sgt.s32 s18, $0xF  }
0x1f: {  	s20 =	smov.u32 @p3 s14  }
0x20: {  	s17 =	simm.s32 @p2 $0x0;
	p2 =	sgt.s32 s20, $0x7FF  }
0x21: {  	p1 =	slt.u32 s13, $0x2;
	s20 =	smov.u32 @p2 s3;
	p2 =	sne.s32 s13, s8  }
.Ltmp1:
0x22: {  	s19 =	simm.s32 @!p1 $0x2;
	(pc) =	sbr.rel @!p2 .LBB1_6-.Ltmp1, $4  }
0x23: {  	s16 =	smov.u32 s10;
	s15 =	smov.u32 s11;
	_ =	swait.ge @!p1 [sflag:s19], $0x4000  }
0x24: {  	p0 =	por !p0, !p0;
	[sflag:s19] =	ssyncset.done @!p1 $0x0;
	s10 =	smov.u32 s17  }
0x25: {  	s18 =	smov.u32 @p3 s4;
	s14 =	smov.u32 s12;
	[sflag:s19] =	ssyncadd.s32 @!p1 $0xFFFFC000  }
0x26: {  	s11 =	smov.u32 s18;
	s13 =	sadd.s32 $0x1, s13;
	s12 =	smov.u32 s20  }
.LBB1_1:
0x27: {  	p1 =	sge.u32 s13, s7  }
0x28: {  	s31 =	sadd.s32 $0xFFFFFFFF, s13;
	s17 =	sxor.u32 @!p1 $0xFFFFFFFF, s13  }
0x29: {  	s18 =	sshll.u32 @!p1 s11, $0x8;
	s19 =	sshll.u32 @!p1 s10, $0x3;
	s20 =	sshll.u32 @!p1 s11, $0x7  }
0x2a: {  	s21 =	sand.u32 @!p1 $0x78, s10;
	s18 =	sand.u32 @!p1 $0x800, s18;
	s19 =	sand.u32 @!p1 $0xC00, s19  }
0x2b: {  	s17 =	sshll.u32 @!p1 s17, $0xE;
	s18 =	sadd.s32 @!p1 s18, s19;
	s19 =	sand.u32 @!p1 $0x300, s20  }
0x2c: {  	s17 =	sand.u32 @!p1 $0x4000, s17;
	s18 =	sor.u32 @!p1 s19, s18;
	s19 =	sand.u32 @!p1 $0x80, s20  }
0x2d: {  	s20 =	sshll.u32 @!p1 s12, $0x9;
	s19 =	sor.u32 @!p1 s21, s19;
	s18 =	sshrl.u32 @!p1 s18, $0x3  }
0x2e: {  	s20 =	sadd.s32 @!p1 s6, s20;
	s21 =	sand.u32 @!p1 $0x7, s10;
	s19 =	sshrl.u32 @!p1 s19, $0x3  }
0x2f: {  	s18 =	sand.u32 @!p1 $0x1E0, s18;
	s19 =	sadd.s32 @!p1 s19, s20;
	s20 =	sshll.u32 @!p1 s21, $0x12  }
0x30: {  	s18 =	sadd.s32 @!p1 s18, s19;
	s19 =	sor.u32 @!p1 $0x80, s20;
	s20 =	simm.s32 @!p1 $0x1000  }
0x31: {  	[tilespmem:s17], [sflag:$0x1] =	stream.strided.gather @!p1 [hbm4b:s18+s19], $0x4000, s20, s19, $0x38;
	[tilespmem:$0x10100] =	vst v63  }
0x32: {  	p1 =	sge.u32 s31, s7  }
.Ltmp2:
0x33: {  	_ = 	snop;
	(pc) =	sbr.rel @p1 .LBB1_5-.Ltmp2, $1  }
0x34: {  	_ =	sdelay $0x3  }
0x35: {  	s17 =	simm.s32 $0x1  }
0x36: {  	_ =	swait.ge [sflag:s5], $0x4000;
	s17 =	simm.s32 @!p0 $0x0  }
0x37: {  	[sflag:s5] =	ssyncset.done $0x0;
	s18 =	sshll.u32 s17, $0xE  }
0x38: {  	[sflag:s5] =	ssyncadd.s32 $0xFFFFC000;
	s19 =	sor.u32 $0x40, s18  }
0x39: {  	s17 =	smul.u32 $0x10200, s17;
	v0 =	vld [tilespmem:s19+$0x30]  }
0x3a: {  	v3 =	vld [tilespmem:s19+$0xFFFFFFD0]  }
0x3b: {  	s17 =	sshrl.u32 s17, $0x2;
	v4 =	vld [tilespmem:s19+$0xFFFFFFE0]  }
0x3c: {  	v5 =	vld [tilespmem:s19+$0xFFFFFFF0];
	s18 =	sor.u32 $0x8000, s17  }
0x3d: {  	s31 =	sand.u32 $0x1, s13;
	v1 =	vld [tilespmem:s19+$0x0];
	s20 =	sadd.s32 $0x0, s18  }
0x3e: {  	v2 =	vld [tilespmem:s19+$0x10];
	s17 =	smul.u32 $0x10200, s31;
	[tilespmem:s20+$0x3870 ss:$0x81] =	vst.msk $0xffff, v0  }
0x3f: {  	[tilespmem:s20+$0x810 ss:$0x81] =	vst.msk $0xffff, v3;
	v3 =	vld [tilespmem:s19+$0x20]  }
0x40: {  	s17 =	sshrl.u32 s17, $0x2;
	v0 =	vld [tilespmem:s19+$0xFFFFFFC0];
	[tilespmem:s20+$0x1020 ss:$0x81] =	vst.msk $0xffff, v4;
	s19 =	sadd.s32 $0x80, s19  }
0x41: {  	s21 =	simm.s32 $0x4;
	s22 =	simm.s32 $0x8;
	s17 =	sor.u32 $0x8000, s17;
	[tilespmem:s20+$0x1830 ss:$0x81] =	vst.msk $0xffff, v5;
	v4 =	vld [tilespmem:s19+$0x30]  }
.LBB1_3:
0x42: {  	p1 =	sne.s32 s22, $0x1FC;
	v5 =	vld [tilespmem:s19+$0xFFFFFFD0];
	[tilespmem:s20+$0x2040 ss:$0x81] =	vst.msk $0xffff, v1  }
0x43: {  	v6 =	vld [tilespmem:s19+$0xFFFFFFE0];
	[tilespmem:s20+$0x2850 ss:$0x81] =	vst.msk $0xffff, v2  }
0x44: {  	s23 =	sshra.s32 s21, $0x2;
	s21 =	smov.u32 s22;
	v7 =	vld [tilespmem:s19+$0xFFFFFFF0];
	[tilespmem:s20+$0x3060 ss:$0x81] =	vst.msk $0xffff, v3  }
.Ltmp3:
0x45: {  	v1 =	vld [tilespmem:s19+$0x0];
	[tilespmem:s20+$0x0 ss:$0x81] =	vst.msk $0xffff, v0;
	s20 =	sadd.s32 s23, s18;
	(pc) =	sbr.rel @p1 .LBB1_3-.Ltmp3, $4  }
0x46: {  	v2 =	vld [tilespmem:s19+$0x10];
	[tilespmem:s20+$0x3870 ss:$0x81] =	vst.msk $0xffff, v4  }
0x47: {  	[tilespmem:s20+$0x810 ss:$0x81] =	vst.msk $0xffff, v5;
	v3 =	vld [tilespmem:s19+$0x20]  }
0x48: {  	v0 =	vld [tilespmem:s19+$0xFFFFFFC0];
	[tilespmem:s20+$0x1020 ss:$0x81] =	vst.msk $0xffff, v6;
	s19 =	sadd.s32 $0x80, s19  }
0x49: {  	s22 =	sadd.s32 $0x4, s22;
	v4 =	vld [tilespmem:s19+$0x30];
	[tilespmem:s20+$0x1830 ss:$0x81] =	vst.msk $0xffff, v7  }
.Ltmp4:
0x4a: {  	_ = 	snop;
	(pc) =	sbr.rel .LBB1_4-.Ltmp4, $1  }
0x4b: {  	_ =	sdelay $0x3  }
.LBB1_6:
0x4c: {  	_ =	sfence.sel $0x180000  }
0x4d: {  	s2 =	simm.s32 $0x1;
	[bflag:$0x0] =	sbarrier.arrive $0xFFFF  }
0x4e: {  	s31 =	simm.s32 $0x2;
	[sflag:s2] =	ssyncpa.u1 $0x1  }
0x4f: {  	[sflag:s31] =	ssyncpa.u1 $0x1  }
0x50: {  	p0 =	sne.s32 s0, $0x0;
	_ =	strace $0x9000004D  }
0x51: {  	s0 =	sadd.s32 @!p0 $0x100000, s1;
	[bflag:$0x2] =	sbarrier.arrive $0xFFFF  }
0x52: {  	[sflag:s0] =	ssyncadd.tile.s32 @!p0 $0x1;
	_ =	shalt  }
.Lfunc_end1:
_tile_overlayer_lowered:
.L_overlay_start_2:
0x53: {  	(tag) =	ssettag $0x2  }
0x54: {  	s0 =	rddreg [dreg:$0x0];
	s2 =	stileid.u32  }
0x55: {  	s1 =	rddreg [dreg:$0x1];
	p0 =	sne.s32 s2, $0x0  }
0x56: {  	s3 =	rddreg [dreg:$0x2];
	[bflag:$0x3] =	sbarrier.arrive $0xFFFF;
	s2 =	simm.s32 @!p0 $0x1C01  }
0x57: {  	[timem:s3], [sflag:s2] =	dma.local @!p0 [hbm:s0], s1  }
0x58: {  	s0 =	simm.s32 @!p0 $0x1  }
0x59: {  	_ =	swait.ge @!p0 [sflag:s0], s1  }
0x5a: {  	s1 =	ssub.s32 @!p0 $0x0, s1;
	[sflag:s0] =	ssyncset.done @!p0 $0x0  }
0x5b: {  	[sflag:s0] =	ssyncadd.s32 @!p0 s1  }
0x5c: {  	[bflag:$0x3] =	sbarrier.arrive $0xFFFF  }
0x5d: {  	_ =	shalt  }

</sc_bundles>
